<compile_context>
chip_gen: v7x
topology: tpu7x:2x2x1
jax: 0.10.2.dev20260603
libtpu: 0.0.44.dev20260713+nightly
codegen_flags: <defaults>
</compile_context>

<pallas_src>
import functools

import jax
import jax.numpy as jnp
from jax import lax
from jax.experimental import pallas as pl
from jax.experimental.pallas import tpu as pltpu
from jax.experimental.pallas import tpu_sc as plsc

_N = 4096
_MAX_PED = 16
_MIN_R = 0.5
_MAX_R = 10.0
_CAP = 400.0
_BIG = 1.0e9
_NW = 32
_SC_ROWS = 512
_RPW = _SC_ROWS // _NW
_NC = 32
_PAD = 256
_BR = 256


def _iota16():
    return lax.iota(jnp.int32, 16)


def _sc_body(x_hbm, y_hbm, hx_hbm, hy_hbm, s15_hbm, s16_hbm,
             xv, yv, hxv, hyv, rowbuf, foldbuf, idbuf, candbuf,
             out15, out16):
    wid = lax.axis_index("s") * 2 + lax.axis_index("c")
    base = wid * _RPW
    pltpu.sync_copy(x_hbm, xv)
    pltpu.sync_copy(y_hbm, yv)
    pltpu.sync_copy(hx_hbm, hxv)
    pltpu.sync_copy(hy_hbm, hyv)
    cap_v = jnp.full((16,), _CAP, jnp.float32)
    for c in range(_PAD // 16):
        rowbuf[pl.ds(_N + c * 16, 16)] = cap_v

    def do_row(iv, _):
        ri = base + iv
        ri_v = _iota16() * 0 + ri
        xi = plsc.load_gather(xv, [ri_v])
        yi = plsc.load_gather(yv, [ri_v])
        hxi = plsc.load_gather(hxv, [ri_v])
        hyi = plsc.load_gather(hyv, [ri_v])
        sqh = hxi * hxi + hyi * hyi

        def do_group(g, _):
            def do_chunk(c8, acc):
                c = g * 16 + c8
                xj = xv[pl.ds(c * 16, 16)]
                yj = yv[pl.ds(c * 16, 16)]
                dx = xj - xi
                dy = yj - yi
                sq = dx * dx + dy * dy
                dt = dx * hxi + dy * hyi
                ok = (dt > 0.0) & (4.0 * (dt * dt) > sq * sqh) & (sq < _CAP)
                val = jnp.where(ok, sq, _CAP)
                rowbuf[pl.ds(c * 16, 16)] = val
                return jnp.minimum(acc, val)

            acc = lax.fori_loop(0, 16, do_chunk, cap_v)
            foldbuf[pl.ds(g * 16, 16)] = acc
            return 0

        lax.fori_loop(0, 16, do_group, 0)

        def t_round(k, m):
            m_v = _iota16() * 0.0 + m

            def scan_g(g, cur):
                fv = foldbuf[pl.ds(g * 16, 16)]
                return jnp.minimum(cur, jnp.where(fv > m_v, fv, _BIG))

            cur = lax.fori_loop(0, 16, scan_g, jnp.full((16,), _BIG, jnp.float32))
            return jnp.min(cur)

        t = lax.fori_loop(0, _MAX_PED + 1, t_round, jnp.float32(-1.0))
        t_v = _iota16() * 0.0 + t

        dummy = jnp.full((16,), 256, jnp.int32)
        for s in range(_NC // 16):
            idbuf[pl.ds(s * 16, 16)] = dummy
        off = jnp.int32(0)
        for g in range(16):
            fv = foldbuf[pl.ds(g * 16, 16)]
            sel = (fv <= t_v) & (fv < _CAP)
            ids = _iota16() + 16 * g
            plsc.store_compressed(idbuf.at[pl.ds(off, 16)], ids, mask=sel)
            off = off + jnp.sum(sel.astype(jnp.int32))

        for s in range(_NC // 16):
            ids = idbuf[pl.ds(s * 16, 16)]
            gq = lax.shift_right_logical(ids, 4)
            lq = lax.bitwise_and(ids, 15)
            for c in range(16):
                cols = 256 * gq + (16 * c) + lq
                candbuf[pl.ds((s * 16 + c) * 16, 16)] = plsc.load_gather(
                    rowbuf, [cols])

        def sel_round(k, carry):
            prev, s15, s16, cum = carry
            prev_v = _iota16() * 0.0 + prev

            def mscan(i, cur):
                v = candbuf[pl.ds(i * 16, 16)]
                return jnp.minimum(cur, jnp.where(v > prev_v, v, _BIG))

            cur = lax.fori_loop(0, _NC, mscan,
                                jnp.full((16,), _BIG, jnp.float32))
            m = jnp.min(cur)
            m_v = _iota16() * 0.0 + m

            def cscan(i, cv):
                v = candbuf[pl.ds(i * 16, 16)]
                return cv + (v == m_v).astype(jnp.int32)

            cnt_v = lax.fori_loop(0, _NC, cscan, jnp.zeros((16,), jnp.int32))
            cnum = jnp.sum(cnt_v)
            nxt = cum + cnum
            s15 = jnp.where((cum <= _MAX_PED - 1) & (nxt > _MAX_PED - 1), m, s15)
            s16 = jnp.where((cum <= _MAX_PED) & (nxt > _MAX_PED), m, s16)
            return m, s15, s16, nxt

        _, s15, s16, _ = lax.fori_loop(
            0, _MAX_PED + 1, sel_round,
            (jnp.float32(-1.0), jnp.float32(_CAP), jnp.float32(_CAP),
             jnp.int32(0)))

        lane0 = _iota16() == 0
        iv_v = _iota16() * 0 + iv
        plsc.store_scatter(out15, [iv_v], _iota16() * 0.0 + s15, mask=lane0)
        plsc.store_scatter(out16, [iv_v], _iota16() * 0.0 + s16, mask=lane0)
        return 0

    lax.fori_loop(0, _RPW, do_row, 0)
    pltpu.sync_copy(out15, s15_hbm.at[pl.ds(base, _RPW)])
    pltpu.sync_copy(out16, s16_hbm.at[pl.ds(base, _RPW)])


def _tc_body(xrow, yrow, xcol, ycol, hxcol, hycol, s15_ref, s16_ref):
    xi = xcol[...]
    yi = ycol[...]
    hx = hxcol[...]
    hy = hycol[...]
    sqh = hx * hx + hy * hy
    xj = xrow[...]
    yj = yrow[...]
    dx = xj - xi
    dy = yj - yi
    squ = dx * dx + dy * dy
    dot = dx * hx + dy * hy
    in_sight = (dot > 0.0) & (4.0 * (dot * dot) > squ * sqh)
    inf = jnp.float32(jnp.inf)
    msk = jnp.where(in_sight, squ, inf)

    ms = []
    m = jnp.full((_BR, 1), -jnp.inf, jnp.float32)
    for _ in range(_MAX_PED + 1):
        m = jnp.min(jnp.where(msk > m, msk, inf), axis=1, keepdims=True)
        ms.append(m)

    cnt17 = jnp.sum((msk <= ms[_MAX_PED]).astype(jnp.int32), axis=1,
                    keepdims=True)
    ties = jnp.any((ms[_MAX_PED] < inf) & (cnt17 > _MAX_PED + 1))

    def fast(_):
        return ms[_MAX_PED - 1], ms[_MAX_PED]

    def slow(_):
        s15 = jnp.full((_BR, 1), inf)
        s16 = jnp.full((_BR, 1), inf)
        cum = jnp.zeros((_BR, 1), jnp.int32)
        for k in range(_MAX_PED + 1):
            c = jnp.sum((msk == ms[k]).astype(jnp.int32), axis=1,
                        keepdims=True)
            nxt = cum + c
            s15 = jnp.where((cum <= _MAX_PED - 1) & (nxt > _MAX_PED - 1),
                            ms[k], s15)
            s16 = jnp.where((cum <= _MAX_PED) & (nxt > _MAX_PED), ms[k], s16)
            cum = nxt
        return s15, s16

    s15, s16 = jax.lax.cond(ties, slow, fast, None)
    s15_ref[...] = s15
    s16_ref[...] = s16


def _finish_body(s15_ref, s16_ref, idx_ref, rad_ref, out_ref):
    r = 0.5 * (jnp.sqrt(s15_ref[...]) + jnp.sqrt(s16_ref[...]))
    r = jnp.clip(r, _MIN_R, _MAX_R)
    out_ref[...] = jnp.where(idx_ref[...] != 0, r, rad_ref[...])


def kernel(past_ped_positions, ped_positions, indexes, all_radii):
    n = ped_positions.shape[0]
    x = ped_positions[:, 0]
    y = ped_positions[:, 1]
    hx = x - past_ped_positions[:, 0]
    hy = y - past_ped_positions[:, 1]

    mesh = plsc.VectorSubcoreMesh(core_axis_name="c", subcore_axis_name="s")
    sc = functools.partial(
        pl.kernel, mesh=mesh,
        compiler_params=pltpu.CompilerParams(needs_layout_passes=False),
        out_type=[jax.ShapeDtypeStruct((_SC_ROWS,), jnp.float32),
                  jax.ShapeDtypeStruct((_SC_ROWS,), jnp.float32)],
        scratch_types=[
            pltpu.VMEM((n,), jnp.float32),
            pltpu.VMEM((n,), jnp.float32),
            pltpu.VMEM((n,), jnp.float32),
            pltpu.VMEM((n,), jnp.float32),
            pltpu.VMEM((n + _PAD,), jnp.float32),
            pltpu.VMEM((256,), jnp.float32),
            pltpu.VMEM((_NC + 16,), jnp.int32),
            pltpu.VMEM((_NC * 16,), jnp.float32),
            pltpu.VMEM((_RPW,), jnp.float32),
            pltpu.VMEM((_RPW,), jnp.float32),
        ],
    )(_sc_body)
    s15_sc, s16_sc = sc(x, y, hx, hy)

    tc_rows = n - _SC_ROWS
    xrow = x.reshape(1, n)
    yrow = y.reshape(1, n)
    xcol = x[_SC_ROWS:].reshape(tc_rows, 1)
    ycol = y[_SC_ROWS:].reshape(tc_rows, 1)
    hxcol = hx[_SC_ROWS:].reshape(tc_rows, 1)
    hycol = hy[_SC_ROWS:].reshape(tc_rows, 1)

    grid = (tc_rows // _BR,)
    row_spec = pl.BlockSpec((1, n), lambda i: (0, 0))
    col_spec = pl.BlockSpec((_BR, 1), lambda i: (i, 0))
    s15_tc, s16_tc = pl.pallas_call(
        _tc_body,
        grid=grid,
        in_specs=[row_spec, row_spec, col_spec, col_spec, col_spec, col_spec],
        out_specs=[col_spec, col_spec],
        out_shape=[jax.ShapeDtypeStruct((tc_rows, 1), jnp.float32),
                   jax.ShapeDtypeStruct((tc_rows, 1), jnp.float32)],
    )(xrow, yrow, xcol, ycol, hxcol, hycol)

    s15 = jnp.concatenate([s15_sc, s15_tc.reshape(tc_rows)])
    s16 = jnp.concatenate([s16_sc, s16_tc.reshape(tc_rows)])

    shape2 = (32, 128)
    spec = pl.BlockSpec(shape2, lambda: (0, 0))
    out = pl.pallas_call(
        _finish_body,
        in_specs=[spec, spec, spec, spec],
        out_specs=spec,
        out_shape=jax.ShapeDtypeStruct(shape2, jnp.float32),
    )(s15.reshape(shape2), s16.reshape(shape2),
      indexes.astype(jnp.int32).reshape(shape2), all_radii.reshape(shape2))
    return out.reshape(n)

# --- scband reference (transcript-rebuilt; emitter-appended) ---
"""Pipeline reference for scband-growing-shape-up-to-max-pedestrians-37271726195503 (READ-ONLY COPY).

The authoritative reference and input builder live on the scoring server;
editing this copy changes nothing except your own understanding.
"""

import jax, jax.numpy as jnp
import numpy as np

N = 4096
MIN_RADIUS = 0.5
MAX_RADIUS = 10.0
DEFAULT_RADIUS = MIN_RADIUS + (MAX_RADIUS - MIN_RADIUS) / 2.0
DEFAULT_ANGLE = 120.0 * np.pi / 180.0
MAX_PED = 16


def setup_inputs(seed: int = 0) -> dict:
    key = jax.random.key(seed)
    k1, k2 = jax.random.split(key)
    past_ped_positions = jax.random.normal(k1, (N, 2), dtype=jnp.float32) * 20.0
    ped_positions = past_ped_positions + jax.random.normal(k2, (N, 2), dtype=jnp.float32) * 0.5
    indexes = jnp.ones((N,), dtype=bool)
    all_radii = jnp.full((N,), DEFAULT_RADIUS, dtype=jnp.float32)
    return {"past_ped_positions": past_ped_positions, "ped_positions": ped_positions,
            "indexes": indexes, "all_radii": all_radii}


def reference(past_ped_positions, ped_positions, indexes, all_radii):
    num_peds = ped_positions.shape[0]
    # heading of each pedestrian from its past position
    angle_offsets = jnp.arctan2(ped_positions[:, 1] - past_ped_positions[:, 1],
                                ped_positions[:, 0] - past_ped_positions[:, 0])
    # pairwise relative cartesian offsets [N, N, 2]
    relative_cart = ped_positions[None, :, :] - ped_positions[:, None, :]
    # safe euclidean norm (diagonal is zero vector)
    sq = jnp.sum(relative_cart * relative_cart, axis=2)
    safe_sq = jnp.where(sq > 0, sq, 1.0)
    relative_dist = jnp.where(sq > 0, jnp.sqrt(safe_sq), 0.0)
    relative_angles = jnp.arctan2(relative_cart[:, :, 1], relative_cart[:, :, 0]) - angle_offsets[:, None]
    relative_angles = (relative_angles + np.pi) % (2.0 * np.pi) - np.pi
    in_sight = (relative_angles >= -DEFAULT_ANGLE / 2.0) & (relative_angles < DEFAULT_ANGLE / 2.0)
    eye = jnp.eye(num_peds, dtype=bool)
    # torch removes the self-pair via ~eye reshape(N, N-1); here we mask it out instead
    in_sight = in_sight & (~eye)
    # out-of-sight (and self) pairs pushed to +inf so sort puts them last,
    # exactly matching sorting only dist_peds_in_sight in the torch loop
    masked_dist = jnp.where(in_sight, relative_dist, jnp.inf)
    dist_sorted = jnp.sort(masked_dist, axis=1)
    n_in_sight = jnp.sum(in_sight, axis=1)
    r = (dist_sorted[:, MAX_PED - 1] + dist_sorted[:, MAX_PED]) / 2.0
    r = jnp.clip(r, MIN_RADIUS, MAX_RADIUS)
    radii_chosen = jnp.where(n_in_sight <= MAX_PED, jnp.float32(MAX_RADIUS), r)
    # self.all_radii[indexes] = radii_chosen  (indexes is all-True here, shapes match)
    new_all_radii = jnp.where(indexes, radii_chosen, all_radii)
    return new_all_radii

if __name__ == "__main__":
    import jax
    _d = setup_inputs()
    print(jax.jit(kernel)(*tuple(_d.values())))

</pallas_src>

<mosaic_0001>
#map = affine_map<(d0, d1) -> (0)>
module attributes {stable_mosaic.version = 14 : i64} {
  func.func @_sc_body(%arg0: i32, %arg1: i32, %arg2: memref<4096xf32, #tpu.memory_space<hbm>>, %arg3: memref<4096xf32, #tpu.memory_space<hbm>>, %arg4: memref<4096xf32, #tpu.memory_space<hbm>>, %arg5: memref<4096xf32, #tpu.memory_space<hbm>>, %arg6: memref<512xf32, #tpu.memory_space<hbm>>, %arg7: memref<512xf32, #tpu.memory_space<hbm>>, %arg8: memref<4096xf32, #tpu.memory_space<vmem>>, %arg9: memref<4096xf32, #tpu.memory_space<vmem>>, %arg10: memref<4096xf32, #tpu.memory_space<vmem>>, %arg11: memref<4096xf32, #tpu.memory_space<vmem>>, %arg12: memref<4352xf32, #tpu.memory_space<vmem>>, %arg13: memref<256xf32, #tpu.memory_space<vmem>>, %arg14: memref<48xi32, #tpu.memory_space<vmem>>, %arg15: memref<512xf32, #tpu.memory_space<vmem>>, %arg16: memref<16xf32, #tpu.memory_space<vmem>>, %arg17: memref<16xf32, #tpu.memory_space<vmem>>) attributes {dimension_semantics = [#tpu.dimension_semantics<core_parallel>, #tpu.dimension_semantics<subcore_parallel>], iteration_bounds = array<i64: 2, 16>, scalar_prefetch = 0 : i64, scratch_operands = 10 : i64, tpu.core_type = #tpu.core_type<sc_vector_subcore>, window_params = [{transform_indices = #map}, {transform_indices = #map}, {transform_indices = #map}, {transform_indices = #map}, {transform_indices = #map}, {transform_indices = #map}]} {
    %mul3A = arith.constant 2 : i32
    %mul3A_0 = arith.muli %arg1, %mul3A : i32
    %add3A = arith.addi %mul3A_0, %arg0 : i32
    %mul3A_1 = arith.constant 16 : i32
    %mul3A_2 = arith.muli %add3A, %mul3A_1 : i32
    "tpu.region"() ({
      %run_scoped3A = tpu.sem_alloc : memref<!tpu.dma_semaphore, #tpu.memory_space<semaphore_mem>>
      tpu.enqueue_dma source(%arg2 : memref<4096xf32, #tpu.memory_space<hbm>>) target(%arg8 : memref<4096xf32, #tpu.memory_space<vmem>>) target_semaphore(%run_scoped3A : memref<!tpu.dma_semaphore, #tpu.memory_space<semaphore_mem>>)
      tpu.wait_dma2 semaphore(%run_scoped3A : memref<!tpu.dma_semaphore, #tpu.memory_space<semaphore_mem>>) src(%arg2 : memref<4096xf32, #tpu.memory_space<hbm>>) dst(%arg8 : memref<4096xf32, #tpu.memory_space<vmem>>)
      tpu.yield
    }) : () -> ()
    "tpu.region"() ({
      %run_scoped3A = tpu.sem_alloc : memref<!tpu.dma_semaphore, #tpu.memory_space<semaphore_mem>>
      tpu.enqueue_dma source(%arg3 : memref<4096xf32, #tpu.memory_space<hbm>>) target(%arg9 : memref<4096xf32, #tpu.memory_space<vmem>>) target_semaphore(%run_scoped3A : memref<!tpu.dma_semaphore, #tpu.memory_space<semaphore_mem>>)
      tpu.wait_dma2 semaphore(%run_scoped3A : memref<!tpu.dma_semaphore, #tpu.memory_space<semaphore_mem>>) src(%arg3 : memref<4096xf32, #tpu.memory_space<hbm>>) dst(%arg9 : memref<4096xf32, #tpu.memory_space<vmem>>)
      tpu.yield
    }) : () -> ()
    "tpu.region"() ({
      %run_scoped3A = tpu.sem_alloc : memref<!tpu.dma_semaphore, #tpu.memory_space<semaphore_mem>>
      tpu.enqueue_dma source(%arg4 : memref<4096xf32, #tpu.memory_space<hbm>>) target(%arg10 : memref<4096xf32, #tpu.memory_space<vmem>>) target_semaphore(%run_scoped3A : memref<!tpu.dma_semaphore, #tpu.memory_space<semaphore_mem>>)
      tpu.wait_dma2 semaphore(%run_scoped3A : memref<!tpu.dma_semaphore, #tpu.memory_space<semaphore_mem>>) src(%arg4 : memref<4096xf32, #tpu.memory_space<hbm>>) dst(%arg10 : memref<4096xf32, #tpu.memory_space<vmem>>)
      tpu.yield
    }) : () -> ()
    "tpu.region"() ({
      %run_scoped3A = tpu.sem_alloc : memref<!tpu.dma_semaphore, #tpu.memory_space<semaphore_mem>>
      tpu.enqueue_dma source(%arg5 : memref<4096xf32, #tpu.memory_space<hbm>>) target(%arg11 : memref<4096xf32, #tpu.memory_space<vmem>>) target_semaphore(%run_scoped3A : memref<!tpu.dma_semaphore, #tpu.memory_space<semaphore_mem>>)
      tpu.wait_dma2 semaphore(%run_scoped3A : memref<!tpu.dma_semaphore, #tpu.memory_space<semaphore_mem>>) src(%arg5 : memref<4096xf32, #tpu.memory_space<hbm>>) dst(%arg11 : memref<4096xf32, #tpu.memory_space<vmem>>)
      tpu.yield
    }) : () -> ()
    %broadcast_in_dim3A = arith.constant 4.000000e+02 : f32
    %broadcast_in_dim3A_3 = vector.broadcast %broadcast_in_dim3A : f32 to vector<16xf32>
    %swap3A = arith.constant 4096 : index
    %swap3A_4 = tpu.vector_load %arg12[%swap3A] {strides = array<i32>} : memref<4352xf32, #tpu.memory_space<vmem>>, vector<16xf32>,
    tpu.vector_store %arg12[%swap3A], %broadcast_in_dim3A_3 {strides = array<i32>} : memref<4352xf32, #tpu.memory_space<vmem>>, vector<16xf32>,
    %swap3A_5 = arith.constant 4112 : index
    %swap3A_6 = tpu.vector_load %arg12[%swap3A_5] {strides = array<i32>} : memref<4352xf32, #tpu.memory_space<vmem>>, vector<16xf32>,
    tpu.vector_store %arg12[%swap3A_5], %broadcast_in_dim3A_3 {strides = array<i32>} : memref<4352xf32, #tpu.memory_space<vmem>>, vector<16xf32>,
    %swap3A_7 = arith.constant 4128 : index
    %swap3A_8 = tpu.vector_load %arg12[%swap3A_7] {strides = array<i32>} : memref<4352xf32, #tpu.memory_space<vmem>>, vector<16xf32>,
    tpu.vector_store %arg12[%swap3A_7], %broadcast_in_dim3A_3 {strides = array<i32>} : memref<4352xf32, #tpu.memory_space<vmem>>, vector<16xf32>,
    %swap3A_9 = arith.constant 4144 : index
    %swap3A_10 = tpu.vector_load %arg12[%swap3A_9] {strides = array<i32>} : memref<4352xf32, #tpu.memory_space<vmem>>, vector<16xf32>,
    tpu.vector_store %arg12[%swap3A_9], %broadcast_in_dim3A_3 {strides = array<i32>} : memref<4352xf32, #tpu.memory_space<vmem>>, vector<16xf32>,
    %swap3A_11 = arith.constant 4160 : index
    %swap3A_12 = tpu.vector_load %arg12[%swap3A_11] {strides = array<i32>} : memref<4352xf32, #tpu.memory_space<vmem>>, vector<16xf32>,
    tpu.vector_store %arg12[%swap3A_11], %broadcast_in_dim3A_3 {strides = array<i32>} : memref<4352xf32, #tpu.memory_space<vmem>>, vector<16xf32>,
    %swap3A_13 = arith.constant 4176 : index
    %swap3A_14 = tpu.vector_load %arg12[%swap3A_13] {strides = array<i32>} : memref<4352xf32, #tpu.memory_space<vmem>>, vector<16xf32>,
    tpu.vector_store %arg12[%swap3A_13], %broadcast_in_dim3A_3 {strides = array<i32>} : memref<4352xf32, #tpu.memory_space<vmem>>, vector<16xf32>,
    %swap3A_15 = arith.constant 4192 : index
    %swap3A_16 = tpu.vector_load %arg12[%swap3A_15] {strides = array<i32>} : memref<4352xf32, #tpu.memory_space<vmem>>, vector<16xf32>,
    tpu.vector_store %arg12[%swap3A_15], %broadcast_in_dim3A_3 {strides = array<i32>} : memref<4352xf32, #tpu.memory_space<vmem>>, vector<16xf32>,
    %swap3A_17 = arith.constant 4208 : index
    %swap3A_18 = tpu.vector_load %arg12[%swap3A_17] {strides = array<i32>} : memref<4352xf32, #tpu.memory_space<vmem>>, vector<16xf32>,
    tpu.vector_store %arg12[%swap3A_17], %broadcast_in_dim3A_3 {strides = array<i32>} : memref<4352xf32, #tpu.memory_space<vmem>>, vector<16xf32>,
    %swap3A_19 = arith.constant 4224 : index
    %swap3A_20 = tpu.vector_load %arg12[%swap3A_19] {strides = array<i32>} : memref<4352xf32, #tpu.memory_space<vmem>>, vector<16xf32>,
    tpu.vector_store %arg12[%swap3A_19], %broadcast_in_dim3A_3 {strides = array<i32>} : memref<4352xf32, #tpu.memory_space<vmem>>, vector<16xf32>,
    %swap3A_21 = arith.constant 4240 : index
    %swap3A_22 = tpu.vector_load %arg12[%swap3A_21] {strides = array<i32>} : memref<4352xf32, #tpu.memory_space<vmem>>, vector<16xf32>,
    tpu.vector_store %arg12[%swap3A_21], %broadcast_in_dim3A_3 {strides = array<i32>} : memref<4352xf32, #tpu.memory_space<vmem>>, vector<16xf32>,
    %swap3A_23 = arith.constant 4256 : index
    %swap3A_24 = tpu.vector_load %arg12[%swap3A_23] {strides = array<i32>} : memref<4352xf32, #tpu.memory_space<vmem>>, vector<16xf32>,
    tpu.vector_store %arg12[%swap3A_23], %broadcast_in_dim3A_3 {strides = array<i32>} : memref<4352xf32, #tpu.memory_space<vmem>>, vector<16xf32>,
    %swap3A_25 = arith.constant 4272 : index
    %swap3A_26 = tpu.vector_load %arg12[%swap3A_25] {strides = array<i32>} : memref<4352xf32, #tpu.memory_space<vmem>>, vector<16xf32>,
    tpu.vector_store %arg12[%swap3A_25], %broadcast_in_dim3A_3 {strides = array<i32>} : memref<4352xf32, #tpu.memory_space<vmem>>, vector<16xf32>,
    %swap3A_27 = arith.constant 4288 : index
    %swap3A_28 = tpu.vector_load %arg12[%swap3A_27] {strides = array<i32>} : memref<4352xf32, #tpu.memory_space<vmem>>, vector<16xf32>,
    tpu.vector_store %arg12[%swap3A_27], %broadcast_in_dim3A_3 {strides = array<i32>} : memref<4352xf32, #tpu.memory_space<vmem>>, vector<16xf32>,
    %swap3A_29 = arith.constant 4304 : index
    %swap3A_30 = tpu.vector_load %arg12[%swap3A_29] {strides = array<i32>} : memref<4352xf32, #tpu.memory_space<vmem>>, vector<16xf32>,
    tpu.vector_store %arg12[%swap3A_29], %broadcast_in_dim3A_3 {strides = array<i32>} : memref<4352xf32, #tpu.memory_space<vmem>>, vector<16xf32>,
    %swap3A_31 = arith.constant 4320 : index
    %swap3A_32 = tpu.vector_load %arg12[%swap3A_31] {strides = array<i32>} : memref<4352xf32, #tpu.memory_space<vmem>>, vector<16xf32>,
    tpu.vector_store %arg12[%swap3A_31], %broadcast_in_dim3A_3 {strides = array<i32>} : memref<4352xf32, #tpu.memory_space<vmem>>, vector<16xf32>,
    %swap3A_33 = arith.constant 4336 : index
    %swap3A_34 = tpu.vector_load %arg12[%swap3A_33] {strides = array<i32>} : memref<4352xf32, #tpu.memory_space<vmem>>, vector<16xf32>,
    tpu.vector_store %arg12[%swap3A_33], %broadcast_in_dim3A_3 {strides = array<i32>} : memref<4352xf32, #tpu.memory_space<vmem>>, vector<16xf32>,
    %scan3A = arith.constant 0 : i32
    %scan3A_35 = arith.constant 0 : i32
    %scan3A_36 = arith.constant 16 : i32
    %scan3A_37 = arith.addi %scan3A_35, %scan3A_36 : i32
    %scan3A_38 = arith.constant 1 : i32
    %scan3A_39 = scf.for %scan3A_41 = %scan3A_35 to %scan3A_37 step %scan3A_38 iter_args(%scan3A_42 = %scan3A) -> (i32)  : i32 {
      %add3A_43 = arith.addi %mul3A_2, %scan3A_41 : i32
      %iota3A = tpu.iota {dimensions = array<i32: 0>} : vector<16xi32>
      %mul3A_44 = arith.constant 0 : i32
      %mul3A_45 = vector.broadcast %mul3A_44 : i32 to vector<16xi32>
      %mul3A_46 = arith.muli %iota3A, %mul3A_45 : vector<16xi32>
      %add3A_47 = vector.broadcast %add3A_43 : i32 to vector<16xi32>
      %add3A_48 = arith.addi %mul3A_46, %add3A_47 : vector<16xi32>
      %gather3A = tpu.vector_load_idx %arg8[%add3A_48] : memref<4096xf32, #tpu.memory_space<vmem>>[vector<16xi32>], vector<16xf32>,
      %gather3A_49 = tpu.vector_load_idx %arg9[%add3A_48] : memref<4096xf32, #tpu.memory_space<vmem>>[vector<16xi32>], vector<16xf32>,
      %gather3A_50 = tpu.vector_load_idx %arg10[%add3A_48] : memref<4096xf32, #tpu.memory_space<vmem>>[vector<16xi32>], vector<16xf32>,
      %gather3A_51 = tpu.vector_load_idx %arg11[%add3A_48] : memref<4096xf32, #tpu.memory_space<vmem>>[vector<16xi32>], vector<16xf32>,
      %mul3A_52 = arith.mulf %gather3A_50, %gather3A_50 : vector<16xf32>
      %mul3A_53 = arith.mulf %gather3A_51, %gather3A_51 : vector<16xf32>
      %add3A_54 = arith.addf %mul3A_52, %mul3A_53 : vector<16xf32>
      %scan3A_55 = arith.constant 0 : i32
      %scan3A_56 = arith.constant 0 : i32
      %scan3A_57 = arith.constant 16 : i32
      %scan3A_58 = arith.addi %scan3A_56, %scan3A_57 : i32
      %scan3A_59 = arith.constant 1 : i32
      %scan3A_60 = scf.for %scan3A_751 = %scan3A_56 to %scan3A_58 step %scan3A_59 iter_args(%scan3A_752 = %scan3A_55) -> (i32)  : i32 {
        %scan3A_753 = arith.constant 0 : i32
        %scan3A_754 = arith.constant 16 : i32
        %scan3A_755 = arith.addi %scan3A_753, %scan3A_754 : i32
        %scan3A_756 = arith.constant 1 : i32
        %scan3A_757 = scf.for %scan3A_764 = %scan3A_753 to %scan3A_755 step %scan3A_756 iter_args(%scan3A_765 = %broadcast_in_dim3A_3) -> (vector<16xf32>)  : i32 {
          %mul3A_766 = arith.constant 16 : i32
          %mul3A_767 = arith.muli %scan3A_751, %mul3A_766 : i32
          %add3A_768 = arith.addi %mul3A_767, %scan3A_764 : i32
          %mul3A_769 = arith.constant 16 : i32
          %mul3A_770 = arith.muli %add3A_768, %mul3A_769 : i32
          %get3A_771 = arith.index_cast %mul3A_770 : i32 to index
          %get3A_772 = tpu.vector_load %arg8[%get3A_771] {strides = array<i32>} : memref<4096xf32, #tpu.memory_space<vmem>>, vector<16xf32>,
          %mul3A_773 = arith.constant 16 : i32
          %mul3A_774 = arith.muli %add3A_768, %mul3A_773 : i32
          %get3A_775 = arith.index_cast %mul3A_774 : i32 to index
          %get3A_776 = tpu.vector_load %arg9[%get3A_775] {strides = array<i32>} : memref<4096xf32, #tpu.memory_space<vmem>>, vector<16xf32>,
          %sub3A = arith.subf %get3A_772, %gather3A : vector<16xf32>
          %sub3A_777 = arith.subf %get3A_776, %gather3A_49 : vector<16xf32>
          %mul3A_778 = arith.mulf %sub3A, %sub3A : vector<16xf32>
          %mul3A_779 = arith.mulf %sub3A_777, %sub3A_777 : vector<16xf32>
          %add3A_780 = arith.addf %mul3A_778, %mul3A_779 : vector<16xf32>
          %mul3A_781 = arith.mulf %sub3A, %gather3A_50 : vector<16xf32>
          %mul3A_782 = arith.mulf %sub3A_777, %gather3A_51 : vector<16xf32>
          %add3A_783 = arith.addf %mul3A_781, %mul3A_782 : vector<16xf32>
          %gt3A = arith.constant 0.000000e+00 : f32
          %gt3A_784 = vector.broadcast %gt3A : f32 to vector<16xf32>
          %gt3A_785 = arith.cmpf ogt, %add3A_783, %gt3A_784 : vector<16xf32>
          %mul3A_786 = arith.mulf %add3A_783, %add3A_783 : vector<16xf32>
          %mul3A_787 = arith.constant 4.000000e+00 : f32
          %mul3A_788 = vector.broadcast %mul3A_787 : f32 to vector<16xf32>
          %mul3A_789 = arith.mulf %mul3A_788, %mul3A_786 : vector<16xf32>
          %mul3A_790 = arith.mulf %add3A_780, %add3A_54 : vector<16xf32>
          %gt3A_791 = arith.cmpf ogt, %mul3A_789, %mul3A_790 : vector<16xf32>
          %and3A_792 = arith.andi %gt3A_785, %gt3A_791 : vector<16xi1>
          %lt3A_793 = arith.constant 4.000000e+02 : f32
          %lt3A_794 = vector.broadcast %lt3A_793 : f32 to vector<16xf32>
          %lt3A_795 = arith.cmpf olt, %add3A_780, %lt3A_794 : vector<16xf32>
          %and3A_796 = arith.andi %and3A_792, %lt3A_795 : vector<16xi1>
          %jit3A = arith.constant 4.000000e+02 : f32
          %broadcast_in_dim3A_797 = vector.broadcast %jit3A : f32 to vector<16xf32>
          %select_n3A = arith.select %and3A_796, %add3A_780, %broadcast_in_dim3A_797 : vector<16xi1>, vector<16xf32>
          %mul3A_798 = arith.constant 16 : i32
          %mul3A_799 = arith.muli %add3A_768, %mul3A_798 : i32
          %swap3A_800 = arith.index_cast %mul3A_799 : i32 to index
          %swap3A_801 = tpu.vector_load %arg12[%swap3A_800] {strides = array<i32>} : memref<4352xf32, #tpu.memory_space<vmem>>, vector<16xf32>,
          tpu.vector_store %arg12[%swap3A_800], %select_n3A {strides = array<i32>} : memref<4352xf32, #tpu.memory_space<vmem>>, vector<16xf32>,
          %min3A = arith.minimumf %scan3A_765, %select_n3A : vector<16xf32>
          scf.yield %min3A : vector<16xf32>
        }
        %scan3A_758 = arith.constant 16 : i32
        %mul3A_759 = arith.constant 16 : i32
        %mul3A_760 = arith.muli %scan3A_751, %mul3A_759 : i32
        %swap3A_761 = arith.index_cast %mul3A_760 : i32 to index
        %swap3A_762 = tpu.vector_load %arg13[%swap3A_761] {strides = array<i32>} : memref<256xf32, #tpu.memory_space<vmem>>, vector<16xf32>,
        tpu.vector_store %arg13[%swap3A_761], %scan3A_757 {strides = array<i32>} : memref<256xf32, #tpu.memory_space<vmem>>, vector<16xf32>,
        %scan3A_763 = arith.constant 0 : i32
        scf.yield %scan3A_763 : i32
      }
      %scan3A_61 = arith.constant 16 : i32
      %scan3A_62 = arith.constant -1.000000e+00 : f32
      %scan3A_63 = arith.constant 0 : i32
      %scan3A_64 = arith.constant 17 : i32
      %scan3A_65 = arith.addi %scan3A_63, %scan3A_64 : i32
      %scan3A_66 = arith.constant 1 : i32
      %scan3A_67 = scf.for %scan3A_751 = %scan3A_63 to %scan3A_65 step %scan3A_66 iter_args(%scan3A_752 = %scan3A_62) -> (f32)  : i32 {
        %iota3A_753 = tpu.iota {dimensions = array<i32: 0>} : vector<16xi32>
        %convert_element_type3A_754 = arith.sitofp %iota3A_753 : vector<16xi32> to vector<16xf32>
        %mul3A_755 = arith.constant 0.000000e+00 : f32
        %mul3A_756 = vector.broadcast %mul3A_755 : f32 to vector<16xf32>
        %mul3A_757 = arith.mulf %convert_element_type3A_754, %mul3A_756 : vector<16xf32>
        %add3A_758 = vector.broadcast %scan3A_752 : f32 to vector<16xf32>
        %add3A_759 = arith.addf %mul3A_757, %add3A_758 : vector<16xf32>
        %broadcast_in_dim3A_760 = arith.constant 1.000000e+09 : f32
        %broadcast_in_dim3A_761 = vector.broadcast %broadcast_in_dim3A_760 : f32 to vector<16xf32>
        %scan3A_762 = arith.constant 0 : i32
        %scan3A_763 = arith.constant 16 : i32
        %scan3A_764 = arith.addi %scan3A_762, %scan3A_763 : i32
        %scan3A_765 = arith.constant 1 : i32
        %scan3A_766 = scf.for %scan3A_771 = %scan3A_762 to %scan3A_764 step %scan3A_765 iter_args(%scan3A_772 = %broadcast_in_dim3A_761) -> (vector<16xf32>)  : i32 {
          %mul3A_773 = arith.constant 16 : i32
          %mul3A_774 = arith.muli %scan3A_771, %mul3A_773 : i32
          %get3A_775 = arith.index_cast %mul3A_774 : i32 to index
          %get3A_776 = tpu.vector_load %arg13[%get3A_775] {strides = array<i32>} : memref<256xf32, #tpu.memory_space<vmem>>, vector<16xf32>,
          %gt3A = arith.cmpf ogt, %get3A_776, %add3A_759 : vector<16xf32>
          %jit3A = arith.constant 1.000000e+09 : f32
          %broadcast_in_dim3A_777 = vector.broadcast %jit3A : f32 to vector<16xf32>
          %select_n3A = arith.select %gt3A, %get3A_776, %broadcast_in_dim3A_777 : vector<16xi1>, vector<16xf32>
          %min3A = arith.minimumf %scan3A_772, %select_n3A : vector<16xf32>
          scf.yield %min3A : vector<16xf32>
        }
        %scan3A_767 = arith.constant 16 : i32
        %reduce_min3A = arith.constant true
        %reduce_min3A_768 = vector.broadcast %reduce_min3A : i1 to vector<16xi1>
        %reduce_min3A_769 = tpu.scan <min>, %scan3A_766 masked %reduce_min3A_768 : vector<16xf32>, vector<16xi1> -> vector<16xf32>
        %reduce_min3A_770 = vector.extract %reduce_min3A_769[15] : f32 from vector<16xf32>
        scf.yield %reduce_min3A_770 : f32
      }
      %scan3A_68 = arith.constant 17 : i32
      %iota3A_69 = tpu.iota {dimensions = array<i32: 0>} : vector<16xi32>
      %convert_element_type3A = arith.sitofp %iota3A_69 : vector<16xi32> to vector<16xf32>
      %mul3A_70 = arith.constant 0.000000e+00 : f32
      %mul3A_71 = vector.broadcast %mul3A_70 : f32 to vector<16xf32>
      %mul3A_72 = arith.mulf %convert_element_type3A, %mul3A_71 : vector<16xf32>
      %add3A_73 = vector.broadcast %scan3A_67 : f32 to vector<16xf32>
      %add3A_74 = arith.addf %mul3A_72, %add3A_73 : vector<16xf32>
      %broadcast_in_dim3A_75 = arith.constant 256 : i32
      %broadcast_in_dim3A_76 = vector.broadcast %broadcast_in_dim3A_75 : i32 to vector<16xi32>
      %swap3A_77 = arith.constant 0 : index
      %swap3A_78 = tpu.vector_load %arg14[%swap3A_77] {strides = array<i32>} : memref<48xi32, #tpu.memory_space<vmem>>, vector<16xi32>,
      tpu.vector_store %arg14[%swap3A_77], %broadcast_in_dim3A_76 {strides = array<i32>} : memref<48xi32, #tpu.memory_space<vmem>>, vector<16xi32>,
      %swap3A_79 = arith.constant 16 : index
      %swap3A_80 = tpu.vector_load %arg14[%swap3A_79] {strides = array<i32>} : memref<48xi32, #tpu.memory_space<vmem>>, vector<16xi32>,
      tpu.vector_store %arg14[%swap3A_79], %broadcast_in_dim3A_76 {strides = array<i32>} : memref<48xi32, #tpu.memory_space<vmem>>, vector<16xi32>,
      %get3A = arith.constant 0 : index
      %get3A_81 = tpu.vector_load %arg13[%get3A] {strides = array<i32>} : memref<256xf32, #tpu.memory_space<vmem>>, vector<16xf32>,
      %le3A = arith.cmpf ole, %get3A_81, %add3A_74 : vector<16xf32>
      %lt3A = arith.constant 4.000000e+02 : f32
      %lt3A_82 = vector.broadcast %lt3A : f32 to vector<16xf32>
      %lt3A_83 = arith.cmpf olt, %get3A_81, %lt3A_82 : vector<16xf32>
      %and3A = arith.andi %le3A, %lt3A_83 : vector<16xi1>
      %iota3A_84 = tpu.iota {dimensions = array<i32: 0>} : vector<16xi32>
      %add3A_85 = arith.constant 0 : i32
      %add3A_86 = vector.broadcast %add3A_85 : i32 to vector<16xi32>
      %add3A_87 = arith.addi %iota3A_84, %add3A_86 : vector<16xi32>
      %swap3A_88 = arith.constant 0 : i32
      %swap3A_89 = arith.index_cast %swap3A_88 : i32 to index
      %swap3A_90 = tpu.vector_load %arg14[%swap3A_89] masked %and3A {strides = array<i32>} : memref<48xi32, #tpu.memory_space<vmem>>, vector<16xi32>, vector<16xi1>
      tpu.vector_store %arg14[%swap3A_89], %add3A_87 masked %and3A {strides = array<i32>} : memref<48xi32, #tpu.memory_space<vmem>>, vector<16xi32>, vector<16xi1>
      %convert_element_type3A_91 = arith.extui %and3A : vector<16xi1> to vector<16xi32>
      %reduce_sum3A = arith.constant true
      %reduce_sum3A_92 = vector.broadcast %reduce_sum3A : i1 to vector<16xi1>
      %reduce_sum3A_93 = tpu.scan <sum>, %convert_element_type3A_91 masked %reduce_sum3A_92 : vector<16xi32>, vector<16xi1> -> vector<16xi32>
      %reduce_sum3A_94 = vector.extract %reduce_sum3A_93[15] : i32 from vector<16xi32>
      %add3A_95 = arith.constant 0 : i32
      %add3A_96 = arith.addi %add3A_95, %reduce_sum3A_94 : i32
      %get3A_97 = arith.constant 16 : index
      %get3A_98 = tpu.vector_load %arg13[%get3A_97] {strides = array<i32>} : memref<256xf32, #tpu.memory_space<vmem>>, vector<16xf32>,
      %le3A_99 = arith.cmpf ole, %get3A_98, %add3A_74 : vector<16xf32>
      %lt3A_100 = arith.constant 4.000000e+02 : f32
      %lt3A_101 = vector.broadcast %lt3A_100 : f32 to vector<16xf32>
      %lt3A_102 = arith.cmpf olt, %get3A_98, %lt3A_101 : vector<16xf32>
      %and3A_103 = arith.andi %le3A_99, %lt3A_102 : vector<16xi1>
      %iota3A_104 = tpu.iota {dimensions = array<i32: 0>} : vector<16xi32>
      %add3A_105 = arith.constant 16 : i32
      %add3A_106 = vector.broadcast %add3A_105 : i32 to vector<16xi32>
      %add3A_107 = arith.addi %iota3A_104, %add3A_106 : vector<16xi32>
      %swap3A_108 = arith.index_cast %add3A_96 : i32 to index
      %swap3A_109 = tpu.vector_load %arg14[%swap3A_108] masked %and3A_103 {strides = array<i32>} : memref<48xi32, #tpu.memory_space<vmem>>, vector<16xi32>, vector<16xi1>
      tpu.vector_store %arg14[%swap3A_108], %add3A_107 masked %and3A_103 {strides = array<i32>} : memref<48xi32, #tpu.memory_space<vmem>>, vector<16xi32>, vector<16xi1>
      %convert_element_type3A_110 = arith.extui %and3A_103 : vector<16xi1> to vector<16xi32>
      %reduce_sum3A_111 = arith.constant true
      %reduce_sum3A_112 = vector.broadcast %reduce_sum3A_111 : i1 to vector<16xi1>
      %reduce_sum3A_113 = tpu.scan <sum>, %convert_element_type3A_110 masked %reduce_sum3A_112 : vector<16xi32>, vector<16xi1> -> vector<16xi32>
      %reduce_sum3A_114 = vector.extract %reduce_sum3A_113[15] : i32 from vector<16xi32>
      %add3A_115 = arith.addi %add3A_96, %reduce_sum3A_114 : i32
      %get3A_116 = arith.constant 32 : index
      %get3A_117 = tpu.vector_load %arg13[%get3A_116] {strides = array<i32>} : memref<256xf32, #tpu.memory_space<vmem>>, vector<16xf32>,
      %le3A_118 = arith.cmpf ole, %get3A_117, %add3A_74 : vector<16xf32>
      %lt3A_119 = arith.constant 4.000000e+02 : f32
      %lt3A_120 = vector.broadcast %lt3A_119 : f32 to vector<16xf32>
      %lt3A_121 = arith.cmpf olt, %get3A_117, %lt3A_120 : vector<16xf32>
      %and3A_122 = arith.andi %le3A_118, %lt3A_121 : vector<16xi1>
      %iota3A_123 = tpu.iota {dimensions = array<i32: 0>} : vector<16xi32>
      %add3A_124 = arith.constant 32 : i32
      %add3A_125 = vector.broadcast %add3A_124 : i32 to vector<16xi32>
      %add3A_126 = arith.addi %iota3A_123, %add3A_125 : vector<16xi32>
      %swap3A_127 = arith.index_cast %add3A_115 : i32 to index
      %swap3A_128 = tpu.vector_load %arg14[%swap3A_127] masked %and3A_122 {strides = array<i32>} : memref<48xi32, #tpu.memory_space<vmem>>, vector<16xi32>, vector<16xi1>
      tpu.vector_store %arg14[%swap3A_127], %add3A_126 masked %and3A_122 {strides = array<i32>} : memref<48xi32, #tpu.memory_space<vmem>>, vector<16xi32>, vector<16xi1>
      %convert_element_type3A_129 = arith.extui %and3A_122 : vector<16xi1> to vector<16xi32>
      %reduce_sum3A_130 = arith.constant true
      %reduce_sum3A_131 = vector.broadcast %reduce_sum3A_130 : i1 to vector<16xi1>
      %reduce_sum3A_132 = tpu.scan <sum>, %convert_element_type3A_129 masked %reduce_sum3A_131 : vector<16xi32>, vector<16xi1> -> vector<16xi32>
      %reduce_sum3A_133 = vector.extract %reduce_sum3A_132[15] : i32 from vector<16xi32>
      %add3A_134 = arith.addi %add3A_115, %reduce_sum3A_133 : i32
      %get3A_135 = arith.constant 48 : index
      %get3A_136 = tpu.vector_load %arg13[%get3A_135] {strides = array<i32>} : memref<256xf32, #tpu.memory_space<vmem>>, vector<16xf32>,
      %le3A_137 = arith.cmpf ole, %get3A_136, %add3A_74 : vector<16xf32>
      %lt3A_138 = arith.constant 4.000000e+02 : f32
      %lt3A_139 = vector.broadcast %lt3A_138 : f32 to vector<16xf32>
      %lt3A_140 = arith.cmpf olt, %get3A_136, %lt3A_139 : vector<16xf32>
      %and3A_141 = arith.andi %le3A_137, %lt3A_140 : vector<16xi1>
      %iota3A_142 = tpu.iota {dimensions = array<i32: 0>} : vector<16xi32>
      %add3A_143 = arith.constant 48 : i32
      %add3A_144 = vector.broadcast %add3A_143 : i32 to vector<16xi32>
      %add3A_145 = arith.addi %iota3A_142, %add3A_144 : vector<16xi32>
      %swap3A_146 = arith.index_cast %add3A_134 : i32 to index
      %swap3A_147 = tpu.vector_load %arg14[%swap3A_146] masked %and3A_141 {strides = array<i32>} : memref<48xi32, #tpu.memory_space<vmem>>, vector<16xi32>, vector<16xi1>
      tpu.vector_store %arg14[%swap3A_146], %add3A_145 masked %and3A_141 {strides = array<i32>} : memref<48xi32, #tpu.memory_space<vmem>>, vector<16xi32>, vector<16xi1>
      %convert_element_type3A_148 = arith.extui %and3A_141 : vector<16xi1> to vector<16xi32>
      %reduce_sum3A_149 = arith.constant true
      %reduce_sum3A_150 = vector.broadcast %reduce_sum3A_149 : i1 to vector<16xi1>
      %reduce_sum3A_151 = tpu.scan <sum>, %convert_element_type3A_148 masked %reduce_sum3A_150 : vector<16xi32>, vector<16xi1> -> vector<16xi32>
      %reduce_sum3A_152 = vector.extract %reduce_sum3A_151[15] : i32 from vector<16xi32>
      %add3A_153 = arith.addi %add3A_134, %reduce_sum3A_152 : i32
      %get3A_154 = arith.constant 64 : index
      %get3A_155 = tpu.vector_load %arg13[%get3A_154] {strides = array<i32>} : memref<256xf32, #tpu.memory_space<vmem>>, vector<16xf32>,
      %le3A_156 = arith.cmpf ole, %get3A_155, %add3A_74 : vector<16xf32>
      %lt3A_157 = arith.constant 4.000000e+02 : f32
      %lt3A_158 = vector.broadcast %lt3A_157 : f32 to vector<16xf32>
      %lt3A_159 = arith.cmpf olt, %get3A_155, %lt3A_158 : vector<16xf32>
      %and3A_160 = arith.andi %le3A_156, %lt3A_159 : vector<16xi1>
      %iota3A_161 = tpu.iota {dimensions = array<i32: 0>} : vector<16xi32>
      %add3A_162 = arith.constant 64 : i32
      %add3A_163 = vector.broadcast %add3A_162 : i32 to vector<16xi32>
      %add3A_164 = arith.addi %iota3A_161, %add3A_163 : vector<16xi32>
      %swap3A_165 = arith.index_cast %add3A_153 : i32 to index
      %swap3A_166 = tpu.vector_load %arg14[%swap3A_165] masked %and3A_160 {strides = array<i32>} : memref<48xi32, #tpu.memory_space<vmem>>, vector<16xi32>, vector<16xi1>
      tpu.vector_store %arg14[%swap3A_165], %add3A_164 masked %and3A_160 {strides = array<i32>} : memref<48xi32, #tpu.memory_space<vmem>>, vector<16xi32>, vector<16xi1>
      %convert_element_type3A_167 = arith.extui %and3A_160 : vector<16xi1> to vector<16xi32>
      %reduce_sum3A_168 = arith.constant true
      %reduce_sum3A_169 = vector.broadcast %reduce_sum3A_168 : i1 to vector<16xi1>
      %reduce_sum3A_170 = tpu.scan <sum>, %convert_element_type3A_167 masked %reduce_sum3A_169 : vector<16xi32>, vector<16xi1> -> vector<16xi32>
      %reduce_sum3A_171 = vector.extract %reduce_sum3A_170[15] : i32 from vector<16xi32>
      %add3A_172 = arith.addi %add3A_153, %reduce_sum3A_171 : i32
      %get3A_173 = arith.constant 80 : index
      %get3A_174 = tpu.vector_load %arg13[%get3A_173] {strides = array<i32>} : memref<256xf32, #tpu.memory_space<vmem>>, vector<16xf32>,
      %le3A_175 = arith.cmpf ole, %get3A_174, %add3A_74 : vector<16xf32>
      %lt3A_176 = arith.constant 4.000000e+02 : f32
      %lt3A_177 = vector.broadcast %lt3A_176 : f32 to vector<16xf32>
      %lt3A_178 = arith.cmpf olt, %get3A_174, %lt3A_177 : vector<16xf32>
      %and3A_179 = arith.andi %le3A_175, %lt3A_178 : vector<16xi1>
      %iota3A_180 = tpu.iota {dimensions = array<i32: 0>} : vector<16xi32>
      %add3A_181 = arith.constant 80 : i32
      %add3A_182 = vector.broadcast %add3A_181 : i32 to vector<16xi32>
      %add3A_183 = arith.addi %iota3A_180, %add3A_182 : vector<16xi32>
      %swap3A_184 = arith.index_cast %add3A_172 : i32 to index
      %swap3A_185 = tpu.vector_load %arg14[%swap3A_184] masked %and3A_179 {strides = array<i32>} : memref<48xi32, #tpu.memory_space<vmem>>, vector<16xi32>, vector<16xi1>
      tpu.vector_store %arg14[%swap3A_184], %add3A_183 masked %and3A_179 {strides = array<i32>} : memref<48xi32, #tpu.memory_space<vmem>>, vector<16xi32>, vector<16xi1>
      %convert_element_type3A_186 = arith.extui %and3A_179 : vector<16xi1> to vector<16xi32>
      %reduce_sum3A_187 = arith.constant true
      %reduce_sum3A_188 = vector.broadcast %reduce_sum3A_187 : i1 to vector<16xi1>
      %reduce_sum3A_189 = tpu.scan <sum>, %convert_element_type3A_186 masked %reduce_sum3A_188 : vector<16xi32>, vector<16xi1> -> vector<16xi32>
      %reduce_sum3A_190 = vector.extract %reduce_sum3A_189[15] : i32 from vector<16xi32>
      %add3A_191 = arith.addi %add3A_172, %reduce_sum3A_190 : i32
      %get3A_192 = arith.constant 96 : index
      %get3A_193 = tpu.vector_load %arg13[%get3A_192] {strides = array<i32>} : memref<256xf32, #tpu.memory_space<vmem>>, vector<16xf32>,
      %le3A_194 = arith.cmpf ole, %get3A_193, %add3A_74 : vector<16xf32>
      %lt3A_195 = arith.constant 4.000000e+02 : f32
      %lt3A_196 = vector.broadcast %lt3A_195 : f32 to vector<16xf32>
      %lt3A_197 = arith.cmpf olt, %get3A_193, %lt3A_196 : vector<16xf32>
      %and3A_198 = arith.andi %le3A_194, %lt3A_197 : vector<16xi1>
      %iota3A_199 = tpu.iota {dimensions = array<i32: 0>} : vector<16xi32>
      %add3A_200 = arith.constant 96 : i32
      %add3A_201 = vector.broadcast %add3A_200 : i32 to vector<16xi32>
      %add3A_202 = arith.addi %iota3A_199, %add3A_201 : vector<16xi32>
      %swap3A_203 = arith.index_cast %add3A_191 : i32 to index
      %swap3A_204 = tpu.vector_load %arg14[%swap3A_203] masked %and3A_198 {strides = array<i32>} : memref<48xi32, #tpu.memory_space<vmem>>, vector<16xi32>, vector<16xi1>
      tpu.vector_store %arg14[%swap3A_203], %add3A_202 masked %and3A_198 {strides = array<i32>} : memref<48xi32, #tpu.memory_space<vmem>>, vector<16xi32>, vector<16xi1>
      %convert_element_type3A_205 = arith.extui %and3A_198 : vector<16xi1> to vector<16xi32>
      %reduce_sum3A_206 = arith.constant true
      %reduce_sum3A_207 = vector.broadcast %reduce_sum3A_206 : i1 to vector<16xi1>
      %reduce_sum3A_208 = tpu.scan <sum>, %convert_element_type3A_205 masked %reduce_sum3A_207 : vector<16xi32>, vector<16xi1> -> vector<16xi32>
      %reduce_sum3A_209 = vector.extract %reduce_sum3A_208[15] : i32 from vector<16xi32>
      %add3A_210 = arith.addi %add3A_191, %reduce_sum3A_209 : i32
      %get3A_211 = arith.constant 112 : index
      %get3A_212 = tpu.vector_load %arg13[%get3A_211] {strides = array<i32>} : memref<256xf32, #tpu.memory_space<vmem>>, vector<16xf32>,
      %le3A_213 = arith.cmpf ole, %get3A_212, %add3A_74 : vector<16xf32>
      %lt3A_214 = arith.constant 4.000000e+02 : f32
      %lt3A_215 = vector.broadcast %lt3A_214 : f32 to vector<16xf32>
      %lt3A_216 = arith.cmpf olt, %get3A_212, %lt3A_215 : vector<16xf32>
      %and3A_217 = arith.andi %le3A_213, %lt3A_216 : vector<16xi1>
      %iota3A_218 = tpu.iota {dimensions = array<i32: 0>} : vector<16xi32>
      %add3A_219 = arith.constant 112 : i32
      %add3A_220 = vector.broadcast %add3A_219 : i32 to vector<16xi32>
      %add3A_221 = arith.addi %iota3A_218, %add3A_220 : vector<16xi32>
      %swap3A_222 = arith.index_cast %add3A_210 : i32 to index
      %swap3A_223 = tpu.vector_load %arg14[%swap3A_222] masked %and3A_217 {strides = array<i32>} : memref<48xi32, #tpu.memory_space<vmem>>, vector<16xi32>, vector<16xi1>
      tpu.vector_store %arg14[%swap3A_222], %add3A_221 masked %and3A_217 {strides = array<i32>} : memref<48xi32, #tpu.memory_space<vmem>>, vector<16xi32>, vector<16xi1>
      %convert_element_type3A_224 = arith.extui %and3A_217 : vector<16xi1> to vector<16xi32>
      %reduce_sum3A_225 = arith.constant true
      %reduce_sum3A_226 = vector.broadcast %reduce_sum3A_225 : i1 to vector<16xi1>
      %reduce_sum3A_227 = tpu.scan <sum>, %convert_element_type3A_224 masked %reduce_sum3A_226 : vector<16xi32>, vector<16xi1> -> vector<16xi32>
      %reduce_sum3A_228 = vector.extract %reduce_sum3A_227[15] : i32 from vector<16xi32>
      %add3A_229 = arith.addi %add3A_210, %reduce_sum3A_228 : i32
      %get3A_230 = arith.constant 128 : index
      %get3A_231 = tpu.vector_load %arg13[%get3A_230] {strides = array<i32>} : memref<256xf32, #tpu.memory_space<vmem>>, vector<16xf32>,
      %le3A_232 = arith.cmpf ole, %get3A_231, %add3A_74 : vector<16xf32>
      %lt3A_233 = arith.constant 4.000000e+02 : f32
      %lt3A_234 = vector.broadcast %lt3A_233 : f32 to vector<16xf32>
      %lt3A_235 = arith.cmpf olt, %get3A_231, %lt3A_234 : vector<16xf32>
      %and3A_236 = arith.andi %le3A_232, %lt3A_235 : vector<16xi1>
      %iota3A_237 = tpu.iota {dimensions = array<i32: 0>} : vector<16xi32>
      %add3A_238 = arith.constant 128 : i32
      %add3A_239 = vector.broadcast %add3A_238 : i32 to vector<16xi32>
      %add3A_240 = arith.addi %iota3A_237, %add3A_239 : vector<16xi32>
      %swap3A_241 = arith.index_cast %add3A_229 : i32 to index
      %swap3A_242 = tpu.vector_load %arg14[%swap3A_241] masked %and3A_236 {strides = array<i32>} : memref<48xi32, #tpu.memory_space<vmem>>, vector<16xi32>, vector<16xi1>
      tpu.vector_store %arg14[%swap3A_241], %add3A_240 masked %and3A_236 {strides = array<i32>} : memref<48xi32, #tpu.memory_space<vmem>>, vector<16xi32>, vector<16xi1>
      %convert_element_type3A_243 = arith.extui %and3A_236 : vector<16xi1> to vector<16xi32>
      %reduce_sum3A_244 = arith.constant true
      %reduce_sum3A_245 = vector.broadcast %reduce_sum3A_244 : i1 to vector<16xi1>
      %reduce_sum3A_246 = tpu.scan <sum>, %convert_element_type3A_243 masked %reduce_sum3A_245 : vector<16xi32>, vector<16xi1> -> vector<16xi32>
      %reduce_sum3A_247 = vector.extract %reduce_sum3A_246[15] : i32 from vector<16xi32>
      %add3A_248 = arith.addi %add3A_229, %reduce_sum3A_247 : i32
      %get3A_249 = arith.constant 144 : index
      %get3A_250 = tpu.vector_load %arg13[%get3A_249] {strides = array<i32>} : memref<256xf32, #tpu.memory_space<vmem>>, vector<16xf32>,
      %le3A_251 = arith.cmpf ole, %get3A_250, %add3A_74 : vector<16xf32>
      %lt3A_252 = arith.constant 4.000000e+02 : f32
      %lt3A_253 = vector.broadcast %lt3A_252 : f32 to vector<16xf32>
      %lt3A_254 = arith.cmpf olt, %get3A_250, %lt3A_253 : vector<16xf32>
      %and3A_255 = arith.andi %le3A_251, %lt3A_254 : vector<16xi1>
      %iota3A_256 = tpu.iota {dimensions = array<i32: 0>} : vector<16xi32>
      %add3A_257 = arith.constant 144 : i32
      %add3A_258 = vector.broadcast %add3A_257 : i32 to vector<16xi32>
      %add3A_259 = arith.addi %iota3A_256, %add3A_258 : vector<16xi32>
      %swap3A_260 = arith.index_cast %add3A_248 : i32 to index
      %swap3A_261 = tpu.vector_load %arg14[%swap3A_260] masked %and3A_255 {strides = array<i32>} : memref<48xi32, #tpu.memory_space<vmem>>, vector<16xi32>, vector<16xi1>
      tpu.vector_store %arg14[%swap3A_260], %add3A_259 masked %and3A_255 {strides = array<i32>} : memref<48xi32, #tpu.memory_space<vmem>>, vector<16xi32>, vector<16xi1>
      %convert_element_type3A_262 = arith.extui %and3A_255 : vector<16xi1> to vector<16xi32>
      %reduce_sum3A_263 = arith.constant true
      %reduce_sum3A_264 = vector.broadcast %reduce_sum3A_263 : i1 to vector<16xi1>
      %reduce_sum3A_265 = tpu.scan <sum>, %convert_element_type3A_262 masked %reduce_sum3A_264 : vector<16xi32>, vector<16xi1> -> vector<16xi32>
      %reduce_sum3A_266 = vector.extract %reduce_sum3A_265[15] : i32 from vector<16xi32>
      %add3A_267 = arith.addi %add3A_248, %reduce_sum3A_266 : i32
      %get3A_268 = arith.constant 160 : index
      %get3A_269 = tpu.vector_load %arg13[%get3A_268] {strides = array<i32>} : memref<256xf32, #tpu.memory_space<vmem>>, vector<16xf32>,
      %le3A_270 = arith.cmpf ole, %get3A_269, %add3A_74 : vector<16xf32>
      %lt3A_271 = arith.constant 4.000000e+02 : f32
      %lt3A_272 = vector.broadcast %lt3A_271 : f32 to vector<16xf32>
      %lt3A_273 = arith.cmpf olt, %get3A_269, %lt3A_272 : vector<16xf32>
      %and3A_274 = arith.andi %le3A_270, %lt3A_273 : vector<16xi1>
      %iota3A_275 = tpu.iota {dimensions = array<i32: 0>} : vector<16xi32>
      %add3A_276 = arith.constant 160 : i32
      %add3A_277 = vector.broadcast %add3A_276 : i32 to vector<16xi32>
      %add3A_278 = arith.addi %iota3A_275, %add3A_277 : vector<16xi32>
      %swap3A_279 = arith.index_cast %add3A_267 : i32 to index
      %swap3A_280 = tpu.vector_load %arg14[%swap3A_279] masked %and3A_274 {strides = array<i32>} : memref<48xi32, #tpu.memory_space<vmem>>, vector<16xi32>, vector<16xi1>
      tpu.vector_store %arg14[%swap3A_279], %add3A_278 masked %and3A_274 {strides = array<i32>} : memref<48xi32, #tpu.memory_space<vmem>>, vector<16xi32>, vector<16xi1>
      %convert_element_type3A_281 = arith.extui %and3A_274 : vector<16xi1> to vector<16xi32>
      %reduce_sum3A_282 = arith.constant true
      %reduce_sum3A_283 = vector.broadcast %reduce_sum3A_282 : i1 to vector<16xi1>
      %reduce_sum3A_284 = tpu.scan <sum>, %convert_element_type3A_281 masked %reduce_sum3A_283 : vector<16xi32>, vector<16xi1> -> vector<16xi32>
      %reduce_sum3A_285 = vector.extract %reduce_sum3A_284[15] : i32 from vector<16xi32>
      %add3A_286 = arith.addi %add3A_267, %reduce_sum3A_285 : i32
      %get3A_287 = arith.constant 176 : index
      %get3A_288 = tpu.vector_load %arg13[%get3A_287] {strides = array<i32>} : memref<256xf32, #tpu.memory_space<vmem>>, vector<16xf32>,
      %le3A_289 = arith.cmpf ole, %get3A_288, %add3A_74 : vector<16xf32>
      %lt3A_290 = arith.constant 4.000000e+02 : f32
      %lt3A_291 = vector.broadcast %lt3A_290 : f32 to vector<16xf32>
      %lt3A_292 = arith.cmpf olt, %get3A_288, %lt3A_291 : vector<16xf32>
      %and3A_293 = arith.andi %le3A_289, %lt3A_292 : vector<16xi1>
      %iota3A_294 = tpu.iota {dimensions = array<i32: 0>} : vector<16xi32>
      %add3A_295 = arith.constant 176 : i32
      %add3A_296 = vector.broadcast %add3A_295 : i32 to vector<16xi32>
      %add3A_297 = arith.addi %iota3A_294, %add3A_296 : vector<16xi32>
      %swap3A_298 = arith.index_cast %add3A_286 : i32 to index
      %swap3A_299 = tpu.vector_load %arg14[%swap3A_298] masked %and3A_293 {strides = array<i32>} : memref<48xi32, #tpu.memory_space<vmem>>, vector<16xi32>, vector<16xi1>
      tpu.vector_store %arg14[%swap3A_298], %add3A_297 masked %and3A_293 {strides = array<i32>} : memref<48xi32, #tpu.memory_space<vmem>>, vector<16xi32>, vector<16xi1>
      %convert_element_type3A_300 = arith.extui %and3A_293 : vector<16xi1> to vector<16xi32>
      %reduce_sum3A_301 = arith.constant true
      %reduce_sum3A_302 = vector.broadcast %reduce_sum3A_301 : i1 to vector<16xi1>
      %reduce_sum3A_303 = tpu.scan <sum>, %convert_element_type3A_300 masked %reduce_sum3A_302 : vector<16xi32>, vector<16xi1> -> vector<16xi32>
      %reduce_sum3A_304 = vector.extract %reduce_sum3A_303[15] : i32 from vector<16xi32>
      %add3A_305 = arith.addi %add3A_286, %reduce_sum3A_304 : i32
      %get3A_306 = arith.constant 192 : index
      %get3A_307 = tpu.vector_load %arg13[%get3A_306] {strides = array<i32>} : memref<256xf32, #tpu.memory_space<vmem>>, vector<16xf32>,
      %le3A_308 = arith.cmpf ole, %get3A_307, %add3A_74 : vector<16xf32>
      %lt3A_309 = arith.constant 4.000000e+02 : f32
      %lt3A_310 = vector.broadcast %lt3A_309 : f32 to vector<16xf32>
      %lt3A_311 = arith.cmpf olt, %get3A_307, %lt3A_310 : vector<16xf32>
      %and3A_312 = arith.andi %le3A_308, %lt3A_311 : vector<16xi1>
      %iota3A_313 = tpu.iota {dimensions = array<i32: 0>} : vector<16xi32>
      %add3A_314 = arith.constant 192 : i32
      %add3A_315 = vector.broadcast %add3A_314 : i32 to vector<16xi32>
      %add3A_316 = arith.addi %iota3A_313, %add3A_315 : vector<16xi32>
      %swap3A_317 = arith.index_cast %add3A_305 : i32 to index
      %swap3A_318 = tpu.vector_load %arg14[%swap3A_317] masked %and3A_312 {strides = array<i32>} : memref<48xi32, #tpu.memory_space<vmem>>, vector<16xi32>, vector<16xi1>
      tpu.vector_store %arg14[%swap3A_317], %add3A_316 masked %and3A_312 {strides = array<i32>} : memref<48xi32, #tpu.memory_space<vmem>>, vector<16xi32>, vector<16xi1>
      %convert_element_type3A_319 = arith.extui %and3A_312 : vector<16xi1> to vector<16xi32>
      %reduce_sum3A_320 = arith.constant true
      %reduce_sum3A_321 = vector.broadcast %reduce_sum3A_320 : i1 to vector<16xi1>
      %reduce_sum3A_322 = tpu.scan <sum>, %convert_element_type3A_319 masked %reduce_sum3A_321 : vector<16xi32>, vector<16xi1> -> vector<16xi32>
      %reduce_sum3A_323 = vector.extract %reduce_sum3A_322[15] : i32 from vector<16xi32>
      %add3A_324 = arith.addi %add3A_305, %reduce_sum3A_323 : i32
      %get3A_325 = arith.constant 208 : index
      %get3A_326 = tpu.vector_load %arg13[%get3A_325] {strides = array<i32>} : memref<256xf32, #tpu.memory_space<vmem>>, vector<16xf32>,
      %le3A_327 = arith.cmpf ole, %get3A_326, %add3A_74 : vector<16xf32>
      %lt3A_328 = arith.constant 4.000000e+02 : f32
      %lt3A_329 = vector.broadcast %lt3A_328 : f32 to vector<16xf32>
      %lt3A_330 = arith.cmpf olt, %get3A_326, %lt3A_329 : vector<16xf32>
      %and3A_331 = arith.andi %le3A_327, %lt3A_330 : vector<16xi1>
      %iota3A_332 = tpu.iota {dimensions = array<i32: 0>} : vector<16xi32>
      %add3A_333 = arith.constant 208 : i32
      %add3A_334 = vector.broadcast %add3A_333 : i32 to vector<16xi32>
      %add3A_335 = arith.addi %iota3A_332, %add3A_334 : vector<16xi32>
      %swap3A_336 = arith.index_cast %add3A_324 : i32 to index
      %swap3A_337 = tpu.vector_load %arg14[%swap3A_336] masked %and3A_331 {strides = array<i32>} : memref<48xi32, #tpu.memory_space<vmem>>, vector<16xi32>, vector<16xi1>
      tpu.vector_store %arg14[%swap3A_336], %add3A_335 masked %and3A_331 {strides = array<i32>} : memref<48xi32, #tpu.memory_space<vmem>>, vector<16xi32>, vector<16xi1>
      %convert_element_type3A_338 = arith.extui %and3A_331 : vector<16xi1> to vector<16xi32>
      %reduce_sum3A_339 = arith.constant true
      %reduce_sum3A_340 = vector.broadcast %reduce_sum3A_339 : i1 to vector<16xi1>
      %reduce_sum3A_341 = tpu.scan <sum>, %convert_element_type3A_338 masked %reduce_sum3A_340 : vector<16xi32>, vector<16xi1> -> vector<16xi32>
      %reduce_sum3A_342 = vector.extract %reduce_sum3A_341[15] : i32 from vector<16xi32>
      %add3A_343 = arith.addi %add3A_324, %reduce_sum3A_342 : i32
      %get3A_344 = arith.constant 224 : index
      %get3A_345 = tpu.vector_load %arg13[%get3A_344] {strides = array<i32>} : memref<256xf32, #tpu.memory_space<vmem>>, vector<16xf32>,
      %le3A_346 = arith.cmpf ole, %get3A_345, %add3A_74 : vector<16xf32>
      %lt3A_347 = arith.constant 4.000000e+02 : f32
      %lt3A_348 = vector.broadcast %lt3A_347 : f32 to vector<16xf32>
      %lt3A_349 = arith.cmpf olt, %get3A_345, %lt3A_348 : vector<16xf32>
      %and3A_350 = arith.andi %le3A_346, %lt3A_349 : vector<16xi1>
      %iota3A_351 = tpu.iota {dimensions = array<i32: 0>} : vector<16xi32>
      %add3A_352 = arith.constant 224 : i32
      %add3A_353 = vector.broadcast %add3A_352 : i32 to vector<16xi32>
      %add3A_354 = arith.addi %iota3A_351, %add3A_353 : vector<16xi32>
      %swap3A_355 = arith.index_cast %add3A_343 : i32 to index
      %swap3A_356 = tpu.vector_load %arg14[%swap3A_355] masked %and3A_350 {strides = array<i32>} : memref<48xi32, #tpu.memory_space<vmem>>, vector<16xi32>, vector<16xi1>
      tpu.vector_store %arg14[%swap3A_355], %add3A_354 masked %and3A_350 {strides = array<i32>} : memref<48xi32, #tpu.memory_space<vmem>>, vector<16xi32>, vector<16xi1>
      %convert_element_type3A_357 = arith.extui %and3A_350 : vector<16xi1> to vector<16xi32>
      %reduce_sum3A_358 = arith.constant true
      %reduce_sum3A_359 = vector.broadcast %reduce_sum3A_358 : i1 to vector<16xi1>
      %reduce_sum3A_360 = tpu.scan <sum>, %convert_element_type3A_357 masked %reduce_sum3A_359 : vector<16xi32>, vector<16xi1> -> vector<16xi32>
      %reduce_sum3A_361 = vector.extract %reduce_sum3A_360[15] : i32 from vector<16xi32>
      %add3A_362 = arith.addi %add3A_343, %reduce_sum3A_361 : i32
      %get3A_363 = arith.constant 240 : index
      %get3A_364 = tpu.vector_load %arg13[%get3A_363] {strides = array<i32>} : memref<256xf32, #tpu.memory_space<vmem>>, vector<16xf32>,
      %le3A_365 = arith.cmpf ole, %get3A_364, %add3A_74 : vector<16xf32>
      %lt3A_366 = arith.constant 4.000000e+02 : f32
      %lt3A_367 = vector.broadcast %lt3A_366 : f32 to vector<16xf32>
      %lt3A_368 = arith.cmpf olt, %get3A_364, %lt3A_367 : vector<16xf32>
      %and3A_369 = arith.andi %le3A_365, %lt3A_368 : vector<16xi1>
      %iota3A_370 = tpu.iota {dimensions = array<i32: 0>} : vector<16xi32>
      %add3A_371 = arith.constant 240 : i32
      %add3A_372 = vector.broadcast %add3A_371 : i32 to vector<16xi32>
      %add3A_373 = arith.addi %iota3A_370, %add3A_372 : vector<16xi32>
      %swap3A_374 = arith.index_cast %add3A_362 : i32 to index
      %swap3A_375 = tpu.vector_load %arg14[%swap3A_374] masked %and3A_369 {strides = array<i32>} : memref<48xi32, #tpu.memory_space<vmem>>, vector<16xi32>, vector<16xi1>
      tpu.vector_store %arg14[%swap3A_374], %add3A_373 masked %and3A_369 {strides = array<i32>} : memref<48xi32, #tpu.memory_space<vmem>>, vector<16xi32>, vector<16xi1>
      %convert_element_type3A_376 = arith.extui %and3A_369 : vector<16xi1> to vector<16xi32>
      %reduce_sum3A_377 = arith.constant true
      %reduce_sum3A_378 = vector.broadcast %reduce_sum3A_377 : i1 to vector<16xi1>
      %reduce_sum3A_379 = tpu.scan <sum>, %convert_element_type3A_376 masked %reduce_sum3A_378 : vector<16xi32>, vector<16xi1> -> vector<16xi32>
      %reduce_sum3A_380 = vector.extract %reduce_sum3A_379[15] : i32 from vector<16xi32>
      %add3A_381 = arith.addi %add3A_362, %reduce_sum3A_380 : i32
      %get3A_382 = arith.constant 0 : index
      %get3A_383 = tpu.vector_load %arg14[%get3A_382] {strides = array<i32>} : memref<48xi32, #tpu.memory_space<vmem>>, vector<16xi32>,
      %shift_right_logical3A = arith.constant 4 : i32
      %shift_right_logical3A_384 = vector.broadcast %shift_right_logical3A : i32 to vector<16xi32>
      %shift_right_logical3A_385 = arith.shrui %get3A_383, %shift_right_logical3A_384 : vector<16xi32>
      %and3A_386 = arith.constant 15 : i32
      %and3A_387 = vector.broadcast %and3A_386 : i32 to vector<16xi32>
      %and3A_388 = arith.andi %get3A_383, %and3A_387 : vector<16xi32>
      %mul3A_389 = arith.constant 256 : i32
      %mul3A_390 = vector.broadcast %mul3A_389 : i32 to vector<16xi32>
      %mul3A_391 = arith.muli %mul3A_390, %shift_right_logical3A_385 : vector<16xi32>
      %add3A_392 = arith.constant 0 : i32
      %add3A_393 = vector.broadcast %add3A_392 : i32 to vector<16xi32>
      %add3A_394 = arith.addi %mul3A_391, %add3A_393 : vector<16xi32>
      %add3A_395 = arith.addi %add3A_394, %and3A_388 : vector<16xi32>
      %gather3A_396 = tpu.vector_load_idx %arg12[%add3A_395] : memref<4352xf32, #tpu.memory_space<vmem>>[vector<16xi32>], vector<16xf32>,
      %swap3A_397 = arith.constant 0 : index
      %swap3A_398 = tpu.vector_load %arg15[%swap3A_397] {strides = array<i32>} : memref<512xf32, #tpu.memory_space<vmem>>, vector<16xf32>,
      tpu.vector_store %arg15[%swap3A_397], %gather3A_396 {strides = array<i32>} : memref<512xf32, #tpu.memory_space<vmem>>, vector<16xf32>,
      %mul3A_399 = arith.constant 256 : i32
      %mul3A_400 = vector.broadcast %mul3A_399 : i32 to vector<16xi32>
      %mul3A_401 = arith.muli %mul3A_400, %shift_right_logical3A_385 : vector<16xi32>
      %add3A_402 = arith.constant 16 : i32
      %add3A_403 = vector.broadcast %add3A_402 : i32 to vector<16xi32>
      %add3A_404 = arith.addi %mul3A_401, %add3A_403 : vector<16xi32>
      %add3A_405 = arith.addi %add3A_404, %and3A_388 : vector<16xi32>
      %gather3A_406 = tpu.vector_load_idx %arg12[%add3A_405] : memref<4352xf32, #tpu.memory_space<vmem>>[vector<16xi32>], vector<16xf32>,
      %swap3A_407 = arith.constant 16 : index
      %swap3A_408 = tpu.vector_load %arg15[%swap3A_407] {strides = array<i32>} : memref<512xf32, #tpu.memory_space<vmem>>, vector<16xf32>,
      tpu.vector_store %arg15[%swap3A_407], %gather3A_406 {strides = array<i32>} : memref<512xf32, #tpu.memory_space<vmem>>, vector<16xf32>,
      %mul3A_409 = arith.constant 256 : i32
      %mul3A_410 = vector.broadcast %mul3A_409 : i32 to vector<16xi32>
      %mul3A_411 = arith.muli %mul3A_410, %shift_right_logical3A_385 : vector<16xi32>
      %add3A_412 = arith.constant 32 : i32
      %add3A_413 = vector.broadcast %add3A_412 : i32 to vector<16xi32>
      %add3A_414 = arith.addi %mul3A_411, %add3A_413 : vector<16xi32>
      %add3A_415 = arith.addi %add3A_414, %and3A_388 : vector<16xi32>
      %gather3A_416 = tpu.vector_load_idx %arg12[%add3A_415] : memref<4352xf32, #tpu.memory_space<vmem>>[vector<16xi32>], vector<16xf32>,
      %swap3A_417 = arith.constant 32 : index
      %swap3A_418 = tpu.vector_load %arg15[%swap3A_417] {strides = array<i32>} : memref<512xf32, #tpu.memory_space<vmem>>, vector<16xf32>,
      tpu.vector_store %arg15[%swap3A_417], %gather3A_416 {strides = array<i32>} : memref<512xf32, #tpu.memory_space<vmem>>, vector<16xf32>,
      %mul3A_419 = arith.constant 256 : i32
      %mul3A_420 = vector.broadcast %mul3A_419 : i32 to vector<16xi32>
      %mul3A_421 = arith.muli %mul3A_420, %shift_right_logical3A_385 : vector<16xi32>
      %add3A_422 = arith.constant 48 : i32
      %add3A_423 = vector.broadcast %add3A_422 : i32 to vector<16xi32>
      %add3A_424 = arith.addi %mul3A_421, %add3A_423 : vector<16xi32>
      %add3A_425 = arith.addi %add3A_424, %and3A_388 : vector<16xi32>
      %gather3A_426 = tpu.vector_load_idx %arg12[%add3A_425] : memref<4352xf32, #tpu.memory_space<vmem>>[vector<16xi32>], vector<16xf32>,
      %swap3A_427 = arith.constant 48 : index
      %swap3A_428 = tpu.vector_load %arg15[%swap3A_427] {strides = array<i32>} : memref<512xf32, #tpu.memory_space<vmem>>, vector<16xf32>,
      tpu.vector_store %arg15[%swap3A_427], %gather3A_426 {strides = array<i32>} : memref<512xf32, #tpu.memory_space<vmem>>, vector<16xf32>,
      %mul3A_429 = arith.constant 256 : i32
      %mul3A_430 = vector.broadcast %mul3A_429 : i32 to vector<16xi32>
      %mul3A_431 = arith.muli %mul3A_430, %shift_right_logical3A_385 : vector<16xi32>
      %add3A_432 = arith.constant 64 : i32
      %add3A_433 = vector.broadcast %add3A_432 : i32 to vector<16xi32>
      %add3A_434 = arith.addi %mul3A_431, %add3A_433 : vector<16xi32>
      %add3A_435 = arith.addi %add3A_434, %and3A_388 : vector<16xi32>
      %gather3A_436 = tpu.vector_load_idx %arg12[%add3A_435] : memref<4352xf32, #tpu.memory_space<vmem>>[vector<16xi32>], vector<16xf32>,
      %swap3A_437 = arith.constant 64 : index
      %swap3A_438 = tpu.vector_load %arg15[%swap3A_437] {strides = array<i32>} : memref<512xf32, #tpu.memory_space<vmem>>, vector<16xf32>,
      tpu.vector_store %arg15[%swap3A_437], %gather3A_436 {strides = array<i32>} : memref<512xf32, #tpu.memory_space<vmem>>, vector<16xf32>,
      %mul3A_439 = arith.constant 256 : i32
      %mul3A_440 = vector.broadcast %mul3A_439 : i32 to vector<16xi32>
      %mul3A_441 = arith.muli %mul3A_440, %shift_right_logical3A_385 : vector<16xi32>
      %add3A_442 = arith.constant 80 : i32
      %add3A_443 = vector.broadcast %add3A_442 : i32 to vector<16xi32>
      %add3A_444 = arith.addi %mul3A_441, %add3A_443 : vector<16xi32>
      %add3A_445 = arith.addi %add3A_444, %and3A_388 : vector<16xi32>
      %gather3A_446 = tpu.vector_load_idx %arg12[%add3A_445] : memref<4352xf32, #tpu.memory_space<vmem>>[vector<16xi32>], vector<16xf32>,
      %swap3A_447 = arith.constant 80 : index
      %swap3A_448 = tpu.vector_load %arg15[%swap3A_447] {strides = array<i32>} : memref<512xf32, #tpu.memory_space<vmem>>, vector<16xf32>,
      tpu.vector_store %arg15[%swap3A_447], %gather3A_446 {strides = array<i32>} : memref<512xf32, #tpu.memory_space<vmem>>, vector<16xf32>,
      %mul3A_449 = arith.constant 256 : i32
      %mul3A_450 = vector.broadcast %mul3A_449 : i32 to vector<16xi32>
      %mul3A_451 = arith.muli %mul3A_450, %shift_right_logical3A_385 : vector<16xi32>
      %add3A_452 = arith.constant 96 : i32
      %add3A_453 = vector.broadcast %add3A_452 : i32 to vector<16xi32>
      %add3A_454 = arith.addi %mul3A_451, %add3A_453 : vector<16xi32>
      %add3A_455 = arith.addi %add3A_454, %and3A_388 : vector<16xi32>
      %gather3A_456 = tpu.vector_load_idx %arg12[%add3A_455] : memref<4352xf32, #tpu.memory_space<vmem>>[vector<16xi32>], vector<16xf32>,
      %swap3A_457 = arith.constant 96 : index
      %swap3A_458 = tpu.vector_load %arg15[%swap3A_457] {strides = array<i32>} : memref<512xf32, #tpu.memory_space<vmem>>, vector<16xf32>,
      tpu.vector_store %arg15[%swap3A_457], %gather3A_456 {strides = array<i32>} : memref<512xf32, #tpu.memory_space<vmem>>, vector<16xf32>,
      %mul3A_459 = arith.constant 256 : i32
      %mul3A_460 = vector.broadcast %mul3A_459 : i32 to vector<16xi32>
      %mul3A_461 = arith.muli %mul3A_460, %shift_right_logical3A_385 : vector<16xi32>
      %add3A_462 = arith.constant 112 : i32
      %add3A_463 = vector.broadcast %add3A_462 : i32 to vector<16xi32>
      %add3A_464 = arith.addi %mul3A_461, %add3A_463 : vector<16xi32>
      %add3A_465 = arith.addi %add3A_464, %and3A_388 : vector<16xi32>
      %gather3A_466 = tpu.vector_load_idx %arg12[%add3A_465] : memref<4352xf32, #tpu.memory_space<vmem>>[vector<16xi32>], vector<16xf32>,
      %swap3A_467 = arith.constant 112 : index
      %swap3A_468 = tpu.vector_load %arg15[%swap3A_467] {strides = array<i32>} : memref<512xf32, #tpu.memory_space<vmem>>, vector<16xf32>,
      tpu.vector_store %arg15[%swap3A_467], %gather3A_466 {strides = array<i32>} : memref<512xf32, #tpu.memory_space<vmem>>, vector<16xf32>,
      %mul3A_469 = arith.constant 256 : i32
      %mul3A_470 = vector.broadcast %mul3A_469 : i32 to vector<16xi32>
      %mul3A_471 = arith.muli %mul3A_470, %shift_right_logical3A_385 : vector<16xi32>
      %add3A_472 = arith.constant 128 : i32
      %add3A_473 = vector.broadcast %add3A_472 : i32 to vector<16xi32>
      %add3A_474 = arith.addi %mul3A_471, %add3A_473 : vector<16xi32>
      %add3A_475 = arith.addi %add3A_474, %and3A_388 : vector<16xi32>
      %gather3A_476 = tpu.vector_load_idx %arg12[%add3A_475] : memref<4352xf32, #tpu.memory_space<vmem>>[vector<16xi32>], vector<16xf32>,
      %swap3A_477 = arith.constant 128 : index
      %swap3A_478 = tpu.vector_load %arg15[%swap3A_477] {strides = array<i32>} : memref<512xf32, #tpu.memory_space<vmem>>, vector<16xf32>,
      tpu.vector_store %arg15[%swap3A_477], %gather3A_476 {strides = array<i32>} : memref<512xf32, #tpu.memory_space<vmem>>, vector<16xf32>,
      %mul3A_479 = arith.constant 256 : i32
      %mul3A_480 = vector.broadcast %mul3A_479 : i32 to vector<16xi32>
      %mul3A_481 = arith.muli %mul3A_480, %shift_right_logical3A_385 : vector<16xi32>
      %add3A_482 = arith.constant 144 : i32
      %add3A_483 = vector.broadcast %add3A_482 : i32 to vector<16xi32>
      %add3A_484 = arith.addi %mul3A_481, %add3A_483 : vector<16xi32>
      %add3A_485 = arith.addi %add3A_484, %and3A_388 : vector<16xi32>
      %gather3A_486 = tpu.vector_load_idx %arg12[%add3A_485] : memref<4352xf32, #tpu.memory_space<vmem>>[vector<16xi32>], vector<16xf32>,
      %swap3A_487 = arith.constant 144 : index
      %swap3A_488 = tpu.vector_load %arg15[%swap3A_487] {strides = array<i32>} : memref<512xf32, #tpu.memory_space<vmem>>, vector<16xf32>,
      tpu.vector_store %arg15[%swap3A_487], %gather3A_486 {strides = array<i32>} : memref<512xf32, #tpu.memory_space<vmem>>, vector<16xf32>,
      %mul3A_489 = arith.constant 256 : i32
      %mul3A_490 = vector.broadcast %mul3A_489 : i32 to vector<16xi32>
      %mul3A_491 = arith.muli %mul3A_490, %shift_right_logical3A_385 : vector<16xi32>
      %add3A_492 = arith.constant 160 : i32
      %add3A_493 = vector.broadcast %add3A_492 : i32 to vector<16xi32>
      %add3A_494 = arith.addi %mul3A_491, %add3A_493 : vector<16xi32>
      %add3A_495 = arith.addi %add3A_494, %and3A_388 : vector<16xi32>
      %gather3A_496 = tpu.vector_load_idx %arg12[%add3A_495] : memref<4352xf32, #tpu.memory_space<vmem>>[vector<16xi32>], vector<16xf32>,
      %swap3A_497 = arith.constant 160 : index
      %swap3A_498 = tpu.vector_load %arg15[%swap3A_497] {strides = array<i32>} : memref<512xf32, #tpu.memory_space<vmem>>, vector<16xf32>,
      tpu.vector_store %arg15[%swap3A_497], %gather3A_496 {strides = array<i32>} : memref<512xf32, #tpu.memory_space<vmem>>, vector<16xf32>,
      %mul3A_499 = arith.constant 256 : i32
      %mul3A_500 = vector.broadcast %mul3A_499 : i32 to vector<16xi32>
      %mul3A_501 = arith.muli %mul3A_500, %shift_right_logical3A_385 : vector<16xi32>
      %add3A_502 = arith.constant 176 : i32
      %add3A_503 = vector.broadcast %add3A_502 : i32 to vector<16xi32>
      %add3A_504 = arith.addi %mul3A_501, %add3A_503 : vector<16xi32>
      %add3A_505 = arith.addi %add3A_504, %and3A_388 : vector<16xi32>
      %gather3A_506 = tpu.vector_load_idx %arg12[%add3A_505] : memref<4352xf32, #tpu.memory_space<vmem>>[vector<16xi32>], vector<16xf32>,
      %swap3A_507 = arith.constant 176 : index
      %swap3A_508 = tpu.vector_load %arg15[%swap3A_507] {strides = array<i32>} : memref<512xf32, #tpu.memory_space<vmem>>, vector<16xf32>,
      tpu.vector_store %arg15[%swap3A_507], %gather3A_506 {strides = array<i32>} : memref<512xf32, #tpu.memory_space<vmem>>, vector<16xf32>,
      %mul3A_509 = arith.constant 256 : i32
      %mul3A_510 = vector.broadcast %mul3A_509 : i32 to vector<16xi32>
      %mul3A_511 = arith.muli %mul3A_510, %shift_right_logical3A_385 : vector<16xi32>
      %add3A_512 = arith.constant 192 : i32
      %add3A_513 = vector.broadcast %add3A_512 : i32 to vector<16xi32>
      %add3A_514 = arith.addi %mul3A_511, %add3A_513 : vector<16xi32>
      %add3A_515 = arith.addi %add3A_514, %and3A_388 : vector<16xi32>
      %gather3A_516 = tpu.vector_load_idx %arg12[%add3A_515] : memref<4352xf32, #tpu.memory_space<vmem>>[vector<16xi32>], vector<16xf32>,
      %swap3A_517 = arith.constant 192 : index
      %swap3A_518 = tpu.vector_load %arg15[%swap3A_517] {strides = array<i32>} : memref<512xf32, #tpu.memory_space<vmem>>, vector<16xf32>,
      tpu.vector_store %arg15[%swap3A_517], %gather3A_516 {strides = array<i32>} : memref<512xf32, #tpu.memory_space<vmem>>, vector<16xf32>,
      %mul3A_519 = arith.constant 256 : i32
      %mul3A_520 = vector.broadcast %mul3A_519 : i32 to vector<16xi32>
      %mul3A_521 = arith.muli %mul3A_520, %shift_right_logical3A_385 : vector<16xi32>
      %add3A_522 = arith.constant 208 : i32
      %add3A_523 = vector.broadcast %add3A_522 : i32 to vector<16xi32>
      %add3A_524 = arith.addi %mul3A_521, %add3A_523 : vector<16xi32>
      %add3A_525 = arith.addi %add3A_524, %and3A_388 : vector<16xi32>
      %gather3A_526 = tpu.vector_load_idx %arg12[%add3A_525] : memref<4352xf32, #tpu.memory_space<vmem>>[vector<16xi32>], vector<16xf32>,
      %swap3A_527 = arith.constant 208 : index
      %swap3A_528 = tpu.vector_load %arg15[%swap3A_527] {strides = array<i32>} : memref<512xf32, #tpu.memory_space<vmem>>, vector<16xf32>,
      tpu.vector_store %arg15[%swap3A_527], %gather3A_526 {strides = array<i32>} : memref<512xf32, #tpu.memory_space<vmem>>, vector<16xf32>,
      %mul3A_529 = arith.constant 256 : i32
      %mul3A_530 = vector.broadcast %mul3A_529 : i32 to vector<16xi32>
      %mul3A_531 = arith.muli %mul3A_530, %shift_right_logical3A_385 : vector<16xi32>
      %add3A_532 = arith.constant 224 : i32
      %add3A_533 = vector.broadcast %add3A_532 : i32 to vector<16xi32>
      %add3A_534 = arith.addi %mul3A_531, %add3A_533 : vector<16xi32>
      %add3A_535 = arith.addi %add3A_534, %and3A_388 : vector<16xi32>
      %gather3A_536 = tpu.vector_load_idx %arg12[%add3A_535] : memref<4352xf32, #tpu.memory_space<vmem>>[vector<16xi32>], vector<16xf32>,
      %swap3A_537 = arith.constant 224 : index
      %swap3A_538 = tpu.vector_load %arg15[%swap3A_537] {strides = array<i32>} : memref<512xf32, #tpu.memory_space<vmem>>, vector<16xf32>,
      tpu.vector_store %arg15[%swap3A_537], %gather3A_536 {strides = array<i32>} : memref<512xf32, #tpu.memory_space<vmem>>, vector<16xf32>,
      %mul3A_539 = arith.constant 256 : i32
      %mul3A_540 = vector.broadcast %mul3A_539 : i32 to vector<16xi32>
      %mul3A_541 = arith.muli %mul3A_540, %shift_right_logical3A_385 : vector<16xi32>
      %add3A_542 = arith.constant 240 : i32
      %add3A_543 = vector.broadcast %add3A_542 : i32 to vector<16xi32>
      %add3A_544 = arith.addi %mul3A_541, %add3A_543 : vector<16xi32>
      %add3A_545 = arith.addi %add3A_544, %and3A_388 : vector<16xi32>
      %gather3A_546 = tpu.vector_load_idx %arg12[%add3A_545] : memref<4352xf32, #tpu.memory_space<vmem>>[vector<16xi32>], vector<16xf32>,
      %swap3A_547 = arith.constant 240 : index
      %swap3A_548 = tpu.vector_load %arg15[%swap3A_547] {strides = array<i32>} : memref<512xf32, #tpu.memory_space<vmem>>, vector<16xf32>,
      tpu.vector_store %arg15[%swap3A_547], %gather3A_546 {strides = array<i32>} : memref<512xf32, #tpu.memory_space<vmem>>, vector<16xf32>,
      %get3A_549 = arith.constant 16 : index
      %get3A_550 = tpu.vector_load %arg14[%get3A_549] {strides = array<i32>} : memref<48xi32, #tpu.memory_space<vmem>>, vector<16xi32>,
      %shift_right_logical3A_551 = arith.constant 4 : i32
      %shift_right_logical3A_552 = vector.broadcast %shift_right_logical3A_551 : i32 to vector<16xi32>
      %shift_right_logical3A_553 = arith.shrui %get3A_550, %shift_right_logical3A_552 : vector<16xi32>
      %and3A_554 = arith.constant 15 : i32
      %and3A_555 = vector.broadcast %and3A_554 : i32 to vector<16xi32>
      %and3A_556 = arith.andi %get3A_550, %and3A_555 : vector<16xi32>
      %mul3A_557 = arith.constant 256 : i32
      %mul3A_558 = vector.broadcast %mul3A_557 : i32 to vector<16xi32>
      %mul3A_559 = arith.muli %mul3A_558, %shift_right_logical3A_553 : vector<16xi32>
      %add3A_560 = arith.constant 0 : i32
      %add3A_561 = vector.broadcast %add3A_560 : i32 to vector<16xi32>
      %add3A_562 = arith.addi %mul3A_559, %add3A_561 : vector<16xi32>
      %add3A_563 = arith.addi %add3A_562, %and3A_556 : vector<16xi32>
      %gather3A_564 = tpu.vector_load_idx %arg12[%add3A_563] : memref<4352xf32, #tpu.memory_space<vmem>>[vector<16xi32>], vector<16xf32>,
      %swap3A_565 = arith.constant 256 : index
      %swap3A_566 = tpu.vector_load %arg15[%swap3A_565] {strides = array<i32>} : memref<512xf32, #tpu.memory_space<vmem>>, vector<16xf32>,
      tpu.vector_store %arg15[%swap3A_565], %gather3A_564 {strides = array<i32>} : memref<512xf32, #tpu.memory_space<vmem>>, vector<16xf32>,
      %mul3A_567 = arith.constant 256 : i32
      %mul3A_568 = vector.broadcast %mul3A_567 : i32 to vector<16xi32>
      %mul3A_569 = arith.muli %mul3A_568, %shift_right_logical3A_553 : vector<16xi32>
      %add3A_570 = arith.constant 16 : i32
      %add3A_571 = vector.broadcast %add3A_570 : i32 to vector<16xi32>
      %add3A_572 = arith.addi %mul3A_569, %add3A_571 : vector<16xi32>
      %add3A_573 = arith.addi %add3A_572, %and3A_556 : vector<16xi32>
      %gather3A_574 = tpu.vector_load_idx %arg12[%add3A_573] : memref<4352xf32, #tpu.memory_space<vmem>>[vector<16xi32>], vector<16xf32>,
      %swap3A_575 = arith.constant 272 : index
      %swap3A_576 = tpu.vector_load %arg15[%swap3A_575] {strides = array<i32>} : memref<512xf32, #tpu.memory_space<vmem>>, vector<16xf32>,
      tpu.vector_store %arg15[%swap3A_575], %gather3A_574 {strides = array<i32>} : memref<512xf32, #tpu.memory_space<vmem>>, vector<16xf32>,
      %mul3A_577 = arith.constant 256 : i32
      %mul3A_578 = vector.broadcast %mul3A_577 : i32 to vector<16xi32>
      %mul3A_579 = arith.muli %mul3A_578, %shift_right_logical3A_553 : vector<16xi32>
      %add3A_580 = arith.constant 32 : i32
      %add3A_581 = vector.broadcast %add3A_580 : i32 to vector<16xi32>
      %add3A_582 = arith.addi %mul3A_579, %add3A_581 : vector<16xi32>
      %add3A_583 = arith.addi %add3A_582, %and3A_556 : vector<16xi32>
      %gather3A_584 = tpu.vector_load_idx %arg12[%add3A_583] : memref<4352xf32, #tpu.memory_space<vmem>>[vector<16xi32>], vector<16xf32>,
      %swap3A_585 = arith.constant 288 : index
      %swap3A_586 = tpu.vector_load %arg15[%swap3A_585] {strides = array<i32>} : memref<512xf32, #tpu.memory_space<vmem>>, vector<16xf32>,
      tpu.vector_store %arg15[%swap3A_585], %gather3A_584 {strides = array<i32>} : memref<512xf32, #tpu.memory_space<vmem>>, vector<16xf32>,
      %mul3A_587 = arith.constant 256 : i32
      %mul3A_588 = vector.broadcast %mul3A_587 : i32 to vector<16xi32>
      %mul3A_589 = arith.muli %mul3A_588, %shift_right_logical3A_553 : vector<16xi32>
      %add3A_590 = arith.constant 48 : i32
      %add3A_591 = vector.broadcast %add3A_590 : i32 to vector<16xi32>
      %add3A_592 = arith.addi %mul3A_589, %add3A_591 : vector<16xi32>
      %add3A_593 = arith.addi %add3A_592, %and3A_556 : vector<16xi32>
      %gather3A_594 = tpu.vector_load_idx %arg12[%add3A_593] : memref<4352xf32, #tpu.memory_space<vmem>>[vector<16xi32>], vector<16xf32>,
      %swap3A_595 = arith.constant 304 : index
      %swap3A_596 = tpu.vector_load %arg15[%swap3A_595] {strides = array<i32>} : memref<512xf32, #tpu.memory_space<vmem>>, vector<16xf32>,
      tpu.vector_store %arg15[%swap3A_595], %gather3A_594 {strides = array<i32>} : memref<512xf32, #tpu.memory_space<vmem>>, vector<16xf32>,
      %mul3A_597 = arith.constant 256 : i32
      %mul3A_598 = vector.broadcast %mul3A_597 : i32 to vector<16xi32>
      %mul3A_599 = arith.muli %mul3A_598, %shift_right_logical3A_553 : vector<16xi32>
      %add3A_600 = arith.constant 64 : i32
      %add3A_601 = vector.broadcast %add3A_600 : i32 to vector<16xi32>
      %add3A_602 = arith.addi %mul3A_599, %add3A_601 : vector<16xi32>
      %add3A_603 = arith.addi %add3A_602, %and3A_556 : vector<16xi32>
      %gather3A_604 = tpu.vector_load_idx %arg12[%add3A_603] : memref<4352xf32, #tpu.memory_space<vmem>>[vector<16xi32>], vector<16xf32>,
      %swap3A_605 = arith.constant 320 : index
      %swap3A_606 = tpu.vector_load %arg15[%swap3A_605] {strides = array<i32>} : memref<512xf32, #tpu.memory_space<vmem>>, vector<16xf32>,
      tpu.vector_store %arg15[%swap3A_605], %gather3A_604 {strides = array<i32>} : memref<512xf32, #tpu.memory_space<vmem>>, vector<16xf32>,
      %mul3A_607 = arith.constant 256 : i32
      %mul3A_608 = vector.broadcast %mul3A_607 : i32 to vector<16xi32>
      %mul3A_609 = arith.muli %mul3A_608, %shift_right_logical3A_553 : vector<16xi32>
      %add3A_610 = arith.constant 80 : i32
      %add3A_611 = vector.broadcast %add3A_610 : i32 to vector<16xi32>
      %add3A_612 = arith.addi %mul3A_609, %add3A_611 : vector<16xi32>
      %add3A_613 = arith.addi %add3A_612, %and3A_556 : vector<16xi32>
      %gather3A_614 = tpu.vector_load_idx %arg12[%add3A_613] : memref<4352xf32, #tpu.memory_space<vmem>>[vector<16xi32>], vector<16xf32>,
      %swap3A_615 = arith.constant 336 : index
      %swap3A_616 = tpu.vector_load %arg15[%swap3A_615] {strides = array<i32>} : memref<512xf32, #tpu.memory_space<vmem>>, vector<16xf32>,
      tpu.vector_store %arg15[%swap3A_615], %gather3A_614 {strides = array<i32>} : memref<512xf32, #tpu.memory_space<vmem>>, vector<16xf32>,
      %mul3A_617 = arith.constant 256 : i32
      %mul3A_618 = vector.broadcast %mul3A_617 : i32 to vector<16xi32>
      %mul3A_619 = arith.muli %mul3A_618, %shift_right_logical3A_553 : vector<16xi32>
      %add3A_620 = arith.constant 96 : i32
      %add3A_621 = vector.broadcast %add3A_620 : i32 to vector<16xi32>
      %add3A_622 = arith.addi %mul3A_619, %add3A_621 : vector<16xi32>
      %add3A_623 = arith.addi %add3A_622, %and3A_556 : vector<16xi32>
      %gather3A_624 = tpu.vector_load_idx %arg12[%add3A_623] : memref<4352xf32, #tpu.memory_space<vmem>>[vector<16xi32>], vector<16xf32>,
      %swap3A_625 = arith.constant 352 : index
      %swap3A_626 = tpu.vector_load %arg15[%swap3A_625] {strides = array<i32>} : memref<512xf32, #tpu.memory_space<vmem>>, vector<16xf32>,
      tpu.vector_store %arg15[%swap3A_625], %gather3A_624 {strides = array<i32>} : memref<512xf32, #tpu.memory_space<vmem>>, vector<16xf32>,
      %mul3A_627 = arith.constant 256 : i32
      %mul3A_628 = vector.broadcast %mul3A_627 : i32 to vector<16xi32>
      %mul3A_629 = arith.muli %mul3A_628, %shift_right_logical3A_553 : vector<16xi32>
      %add3A_630 = arith.constant 112 : i32
      %add3A_631 = vector.broadcast %add3A_630 : i32 to vector<16xi32>
      %add3A_632 = arith.addi %mul3A_629, %add3A_631 : vector<16xi32>
      %add3A_633 = arith.addi %add3A_632, %and3A_556 : vector<16xi32>
      %gather3A_634 = tpu.vector_load_idx %arg12[%add3A_633] : memref<4352xf32, #tpu.memory_space<vmem>>[vector<16xi32>], vector<16xf32>,
      %swap3A_635 = arith.constant 368 : index
      %swap3A_636 = tpu.vector_load %arg15[%swap3A_635] {strides = array<i32>} : memref<512xf32, #tpu.memory_space<vmem>>, vector<16xf32>,
      tpu.vector_store %arg15[%swap3A_635], %gather3A_634 {strides = array<i32>} : memref<512xf32, #tpu.memory_space<vmem>>, vector<16xf32>,
      %mul3A_637 = arith.constant 256 : i32
      %mul3A_638 = vector.broadcast %mul3A_637 : i32 to vector<16xi32>
      %mul3A_639 = arith.muli %mul3A_638, %shift_right_logical3A_553 : vector<16xi32>
      %add3A_640 = arith.constant 128 : i32
      %add3A_641 = vector.broadcast %add3A_640 : i32 to vector<16xi32>
      %add3A_642 = arith.addi %mul3A_639, %add3A_641 : vector<16xi32>
      %add3A_643 = arith.addi %add3A_642, %and3A_556 : vector<16xi32>
      %gather3A_644 = tpu.vector_load_idx %arg12[%add3A_643] : memref<4352xf32, #tpu.memory_space<vmem>>[vector<16xi32>], vector<16xf32>,
      %swap3A_645 = arith.constant 384 : index
      %swap3A_646 = tpu.vector_load %arg15[%swap3A_645] {strides = array<i32>} : memref<512xf32, #tpu.memory_space<vmem>>, vector<16xf32>,
      tpu.vector_store %arg15[%swap3A_645], %gather3A_644 {strides = array<i32>} : memref<512xf32, #tpu.memory_space<vmem>>, vector<16xf32>,
      %mul3A_647 = arith.constant 256 : i32
      %mul3A_648 = vector.broadcast %mul3A_647 : i32 to vector<16xi32>
      %mul3A_649 = arith.muli %mul3A_648, %shift_right_logical3A_553 : vector<16xi32>
      %add3A_650 = arith.constant 144 : i32
      %add3A_651 = vector.broadcast %add3A_650 : i32 to vector<16xi32>
      %add3A_652 = arith.addi %mul3A_649, %add3A_651 : vector<16xi32>
      %add3A_653 = arith.addi %add3A_652, %and3A_556 : vector<16xi32>
      %gather3A_654 = tpu.vector_load_idx %arg12[%add3A_653] : memref<4352xf32, #tpu.memory_space<vmem>>[vector<16xi32>], vector<16xf32>,
      %swap3A_655 = arith.constant 400 : index
      %swap3A_656 = tpu.vector_load %arg15[%swap3A_655] {strides = array<i32>} : memref<512xf32, #tpu.memory_space<vmem>>, vector<16xf32>,
      tpu.vector_store %arg15[%swap3A_655], %gather3A_654 {strides = array<i32>} : memref<512xf32, #tpu.memory_space<vmem>>, vector<16xf32>,
      %mul3A_657 = arith.constant 256 : i32
      %mul3A_658 = vector.broadcast %mul3A_657 : i32 to vector<16xi32>
      %mul3A_659 = arith.muli %mul3A_658, %shift_right_logical3A_553 : vector<16xi32>
      %add3A_660 = arith.constant 160 : i32
      %add3A_661 = vector.broadcast %add3A_660 : i32 to vector<16xi32>
      %add3A_662 = arith.addi %mul3A_659, %add3A_661 : vector<16xi32>
      %add3A_663 = arith.addi %add3A_662, %and3A_556 : vector<16xi32>
      %gather3A_664 = tpu.vector_load_idx %arg12[%add3A_663] : memref<4352xf32, #tpu.memory_space<vmem>>[vector<16xi32>], vector<16xf32>,
      %swap3A_665 = arith.constant 416 : index
      %swap3A_666 = tpu.vector_load %arg15[%swap3A_665] {strides = array<i32>} : memref<512xf32, #tpu.memory_space<vmem>>, vector<16xf32>,
      tpu.vector_store %arg15[%swap3A_665], %gather3A_664 {strides = array<i32>} : memref<512xf32, #tpu.memory_space<vmem>>, vector<16xf32>,
      %mul3A_667 = arith.constant 256 : i32
      %mul3A_668 = vector.broadcast %mul3A_667 : i32 to vector<16xi32>
      %mul3A_669 = arith.muli %mul3A_668, %shift_right_logical3A_553 : vector<16xi32>
      %add3A_670 = arith.constant 176 : i32
      %add3A_671 = vector.broadcast %add3A_670 : i32 to vector<16xi32>
      %add3A_672 = arith.addi %mul3A_669, %add3A_671 : vector<16xi32>
      %add3A_673 = arith.addi %add3A_672, %and3A_556 : vector<16xi32>
      %gather3A_674 = tpu.vector_load_idx %arg12[%add3A_673] : memref<4352xf32, #tpu.memory_space<vmem>>[vector<16xi32>], vector<16xf32>,
      %swap3A_675 = arith.constant 432 : index
      %swap3A_676 = tpu.vector_load %arg15[%swap3A_675] {strides = array<i32>} : memref<512xf32, #tpu.memory_space<vmem>>, vector<16xf32>,
      tpu.vector_store %arg15[%swap3A_675], %gather3A_674 {strides = array<i32>} : memref<512xf32, #tpu.memory_space<vmem>>, vector<16xf32>,
      %mul3A_677 = arith.constant 256 : i32
      %mul3A_678 = vector.broadcast %mul3A_677 : i32 to vector<16xi32>
      %mul3A_679 = arith.muli %mul3A_678, %shift_right_logical3A_553 : vector<16xi32>
      %add3A_680 = arith.constant 192 : i32
      %add3A_681 = vector.broadcast %add3A_680 : i32 to vector<16xi32>
      %add3A_682 = arith.addi %mul3A_679, %add3A_681 : vector<16xi32>
      %add3A_683 = arith.addi %add3A_682, %and3A_556 : vector<16xi32>
      %gather3A_684 = tpu.vector_load_idx %arg12[%add3A_683] : memref<4352xf32, #tpu.memory_space<vmem>>[vector<16xi32>], vector<16xf32>,
      %swap3A_685 = arith.constant 448 : index
      %swap3A_686 = tpu.vector_load %arg15[%swap3A_685] {strides = array<i32>} : memref<512xf32, #tpu.memory_space<vmem>>, vector<16xf32>,
      tpu.vector_store %arg15[%swap3A_685], %gather3A_684 {strides = array<i32>} : memref<512xf32, #tpu.memory_space<vmem>>, vector<16xf32>,
      %mul3A_687 = arith.constant 256 : i32
      %mul3A_688 = vector.broadcast %mul3A_687 : i32 to vector<16xi32>
      %mul3A_689 = arith.muli %mul3A_688, %shift_right_logical3A_553 : vector<16xi32>
      %add3A_690 = arith.constant 208 : i32
      %add3A_691 = vector.broadcast %add3A_690 : i32 to vector<16xi32>
      %add3A_692 = arith.addi %mul3A_689, %add3A_691 : vector<16xi32>
      %add3A_693 = arith.addi %add3A_692, %and3A_556 : vector<16xi32>
      %gather3A_694 = tpu.vector_load_idx %arg12[%add3A_693] : memref<4352xf32, #tpu.memory_space<vmem>>[vector<16xi32>], vector<16xf32>,
      %swap3A_695 = arith.constant 464 : index
      %swap3A_696 = tpu.vector_load %arg15[%swap3A_695] {strides = array<i32>} : memref<512xf32, #tpu.memory_space<vmem>>, vector<16xf32>,
      tpu.vector_store %arg15[%swap3A_695], %gather3A_694 {strides = array<i32>} : memref<512xf32, #tpu.memory_space<vmem>>, vector<16xf32>,
      %mul3A_697 = arith.constant 256 : i32
      %mul3A_698 = vector.broadcast %mul3A_697 : i32 to vector<16xi32>
      %mul3A_699 = arith.muli %mul3A_698, %shift_right_logical3A_553 : vector<16xi32>
      %add3A_700 = arith.constant 224 : i32
      %add3A_701 = vector.broadcast %add3A_700 : i32 to vector<16xi32>
      %add3A_702 = arith.addi %mul3A_699, %add3A_701 : vector<16xi32>
      %add3A_703 = arith.addi %add3A_702, %and3A_556 : vector<16xi32>
      %gather3A_704 = tpu.vector_load_idx %arg12[%add3A_703] : memref<4352xf32, #tpu.memory_space<vmem>>[vector<16xi32>], vector<16xf32>,
      %swap3A_705 = arith.constant 480 : index
      %swap3A_706 = tpu.vector_load %arg15[%swap3A_705] {strides = array<i32>} : memref<512xf32, #tpu.memory_space<vmem>>, vector<16xf32>,
      tpu.vector_store %arg15[%swap3A_705], %gather3A_704 {strides = array<i32>} : memref<512xf32, #tpu.memory_space<vmem>>, vector<16xf32>,
      %mul3A_707 = arith.constant 256 : i32
      %mul3A_708 = vector.broadcast %mul3A_707 : i32 to vector<16xi32>
      %mul3A_709 = arith.muli %mul3A_708, %shift_right_logical3A_553 : vector<16xi32>
      %add3A_710 = arith.constant 240 : i32
      %add3A_711 = vector.broadcast %add3A_710 : i32 to vector<16xi32>
      %add3A_712 = arith.addi %mul3A_709, %add3A_711 : vector<16xi32>
      %add3A_713 = arith.addi %add3A_712, %and3A_556 : vector<16xi32>
      %gather3A_714 = tpu.vector_load_idx %arg12[%add3A_713] : memref<4352xf32, #tpu.memory_space<vmem>>[vector<16xi32>], vector<16xf32>,
      %swap3A_715 = arith.constant 496 : index
      %swap3A_716 = tpu.vector_load %arg15[%swap3A_715] {strides = array<i32>} : memref<512xf32, #tpu.memory_space<vmem>>, vector<16xf32>,
      tpu.vector_store %arg15[%swap3A_715], %gather3A_714 {strides = array<i32>} : memref<512xf32, #tpu.memory_space<vmem>>, vector<16xf32>,
      %scan3A_717 = arith.constant -1.000000e+00 : f32
      %scan3A_718 = arith.constant 4.000000e+02 : f32
      %scan3A_719 = arith.constant 4.000000e+02 : f32
      %scan3A_720 = arith.constant 0 : i32
      %scan3A_721 = arith.constant 0 : i32
      %scan3A_722 = arith.constant 17 : i32
      %scan3A_723 = arith.addi %scan3A_721, %scan3A_722 : i32
      %scan3A_724 = arith.constant 1 : i32
      %scan3A_725:4 = scf.for %scan3A_751 = %scan3A_721 to %scan3A_723 step %scan3A_724 iter_args(%scan3A_752 = %scan3A_717, %scan3A_753 = %scan3A_718, %scan3A_754 = %scan3A_719, %scan3A_755 = %scan3A_720) -> (f32, f32, f32, i32)  : i32 {
        %iota3A_756 = tpu.iota {dimensions = array<i32: 0>} : vector<16xi32>
        %convert_element_type3A_757 = arith.sitofp %iota3A_756 : vector<16xi32> to vector<16xf32>
        %mul3A_758 = arith.constant 0.000000e+00 : f32
        %mul3A_759 = vector.broadcast %mul3A_758 : f32 to vector<16xf32>
        %mul3A_760 = arith.mulf %convert_element_type3A_757, %mul3A_759 : vector<16xf32>
        %add3A_761 = vector.broadcast %scan3A_752 : f32 to vector<16xf32>
        %add3A_762 = arith.addf %mul3A_760, %add3A_761 : vector<16xf32>
        %broadcast_in_dim3A_763 = arith.constant 1.000000e+09 : f32
        %broadcast_in_dim3A_764 = vector.broadcast %broadcast_in_dim3A_763 : f32 to vector<16xf32>
        %scan3A_765 = arith.constant 0 : i32
        %scan3A_766 = arith.constant 32 : i32
        %scan3A_767 = arith.addi %scan3A_765, %scan3A_766 : i32
        %scan3A_768 = arith.constant 1 : i32
        %scan3A_769 = scf.for %scan3A_804 = %scan3A_765 to %scan3A_767 step %scan3A_768 iter_args(%scan3A_805 = %broadcast_in_dim3A_764) -> (vector<16xf32>)  : i32 {
          %mul3A_806 = arith.constant 16 : i32
          %mul3A_807 = arith.muli %scan3A_804, %mul3A_806 : i32
          %get3A_808 = arith.index_cast %mul3A_807 : i32 to index
          %get3A_809 = tpu.vector_load %arg15[%get3A_808] {strides = array<i32>} : memref<512xf32, #tpu.memory_space<vmem>>, vector<16xf32>,
          %gt3A_810 = arith.cmpf ogt, %get3A_809, %add3A_762 : vector<16xf32>
          %jit3A = arith.constant 1.000000e+09 : f32
          %broadcast_in_dim3A_811 = vector.broadcast %jit3A : f32 to vector<16xf32>
          %select_n3A_812 = arith.select %gt3A_810, %get3A_809, %broadcast_in_dim3A_811 : vector<16xi1>, vector<16xf32>
          %min3A = arith.minimumf %scan3A_805, %select_n3A_812 : vector<16xf32>
          scf.yield %min3A : vector<16xf32>
        }
        %scan3A_770 = arith.constant 32 : i32
        %reduce_min3A = arith.constant true
        %reduce_min3A_771 = vector.broadcast %reduce_min3A : i1 to vector<16xi1>
        %reduce_min3A_772 = tpu.scan <min>, %scan3A_769 masked %reduce_min3A_771 : vector<16xf32>, vector<16xi1> -> vector<16xf32>
        %reduce_min3A_773 = vector.extract %reduce_min3A_772[15] : f32 from vector<16xf32>
        %iota3A_774 = tpu.iota {dimensions = array<i32: 0>} : vector<16xi32>
        %convert_element_type3A_775 = arith.sitofp %iota3A_774 : vector<16xi32> to vector<16xf32>
        %mul3A_776 = arith.constant 0.000000e+00 : f32
        %mul3A_777 = vector.broadcast %mul3A_776 : f32 to vector<16xf32>
        %mul3A_778 = arith.mulf %convert_element_type3A_775, %mul3A_777 : vector<16xf32>
        %add3A_779 = vector.broadcast %reduce_min3A_773 : f32 to vector<16xf32>
        %add3A_780 = arith.addf %mul3A_778, %add3A_779 : vector<16xf32>
        %broadcast_in_dim3A_781 = arith.constant 0 : i32
        %broadcast_in_dim3A_782 = vector.broadcast %broadcast_in_dim3A_781 : i32 to vector<16xi32>
        %scan3A_783 = arith.constant 0 : i32
        %scan3A_784 = arith.constant 32 : i32
        %scan3A_785 = arith.addi %scan3A_783, %scan3A_784 : i32
        %scan3A_786 = arith.constant 1 : i32
        %scan3A_787 = scf.for %scan3A_804 = %scan3A_783 to %scan3A_785 step %scan3A_786 iter_args(%scan3A_805 = %broadcast_in_dim3A_782) -> (vector<16xi32>)  : i32 {
          %mul3A_806 = arith.constant 16 : i32
          %mul3A_807 = arith.muli %scan3A_804, %mul3A_806 : i32
          %get3A_808 = arith.index_cast %mul3A_807 : i32 to index
          %get3A_809 = tpu.vector_load %arg15[%get3A_808] {strides = array<i32>} : memref<512xf32, #tpu.memory_space<vmem>>, vector<16xf32>,
          %eq3A_810 = arith.cmpf oeq, %get3A_809, %add3A_780 : vector<16xf32>
          %convert_element_type3A_811 = arith.extui %eq3A_810 : vector<16xi1> to vector<16xi32>
          %add3A_812 = arith.addi %scan3A_805, %convert_element_type3A_811 : vector<16xi32>
          scf.yield %add3A_812 : vector<16xi32>
        }
        %scan3A_788 = arith.constant 32 : i32
        %reduce_sum3A_789 = arith.constant true
        %reduce_sum3A_790 = vector.broadcast %reduce_sum3A_789 : i1 to vector<16xi1>
        %reduce_sum3A_791 = tpu.scan <sum>, %scan3A_787 masked %reduce_sum3A_790 : vector<16xi32>, vector<16xi1> -> vector<16xi32>
        %reduce_sum3A_792 = vector.extract %reduce_sum3A_791[15] : i32 from vector<16xi32>
        %add3A_793 = arith.addi %scan3A_755, %reduce_sum3A_792 : i32
        %le3A_794 = arith.constant 15 : i32
        %le3A_795 = arith.cmpi sle, %scan3A_755, %le3A_794 : i32
        %gt3A = arith.constant 15 : i32
        %gt3A_796 = arith.cmpi sgt, %add3A_793, %gt3A : i32
        %and3A_797 = arith.andi %le3A_795, %gt3A_796 : i1
        %select_n3A = arith.select %and3A_797, %reduce_min3A_773, %scan3A_753 : f32
        %le3A_798 = arith.constant 16 : i32
        %le3A_799 = arith.cmpi sle, %scan3A_755, %le3A_798 : i32
        %gt3A_800 = arith.constant 16 : i32
        %gt3A_801 = arith.cmpi sgt, %add3A_793, %gt3A_800 : i32
        %and3A_802 = arith.andi %le3A_799, %gt3A_801 : i1
        %select_n3A_803 = arith.select %and3A_802, %reduce_min3A_773, %scan3A_754 : f32
        scf.yield %reduce_min3A_773, %select_n3A, %select_n3A_803, %add3A_793 : f32, f32, f32, i32
      }
      %scan3A_726 = arith.constant 17 : i32
      %iota3A_727 = tpu.iota {dimensions = array<i32: 0>} : vector<16xi32>
      %eq3A = arith.constant 0 : i32
      %eq3A_728 = vector.broadcast %eq3A : i32 to vector<16xi32>
      %eq3A_729 = arith.cmpi eq, %iota3A_727, %eq3A_728 : vector<16xi32>
      %iota3A_730 = tpu.iota {dimensions = array<i32: 0>} : vector<16xi32>
      %mul3A_731 = arith.constant 0 : i32
      %mul3A_732 = vector.broadcast %mul3A_731 : i32 to vector<16xi32>
      %mul3A_733 = arith.muli %iota3A_730, %mul3A_732 : vector<16xi32>
      %add3A_734 = vector.broadcast %scan3A_41 : i32 to vector<16xi32>
      %add3A_735 = arith.addi %mul3A_733, %add3A_734 : vector<16xi32>
      %iota3A_736 = tpu.iota {dimensions = array<i32: 0>} : vector<16xi32>
      %convert_element_type3A_737 = arith.sitofp %iota3A_736 : vector<16xi32> to vector<16xf32>
      %mul3A_738 = arith.constant 0.000000e+00 : f32
      %mul3A_739 = vector.broadcast %mul3A_738 : f32 to vector<16xf32>
      %mul3A_740 = arith.mulf %convert_element_type3A_737, %mul3A_739 : vector<16xf32>
      %add3A_741 = vector.broadcast %scan3A_725#1 : f32 to vector<16xf32>
      %add3A_742 = arith.addf %mul3A_740, %add3A_741 : vector<16xf32>
      tpu.vector_store_idx %arg16[%add3A_735], %add3A_742 masked %eq3A_729 : memref<16xf32, #tpu.memory_space<vmem>>[vector<16xi32>], vector<16xf32>, vector<16xi1>
      %iota3A_743 = tpu.iota {dimensions = array<i32: 0>} : vector<16xi32>
      %convert_element_type3A_744 = arith.sitofp %iota3A_743 : vector<16xi32> to vector<16xf32>
      %mul3A_745 = arith.constant 0.000000e+00 : f32
      %mul3A_746 = vector.broadcast %mul3A_745 : f32 to vector<16xf32>
      %mul3A_747 = arith.mulf %convert_element_type3A_744, %mul3A_746 : vector<16xf32>
      %add3A_748 = vector.broadcast %scan3A_725#2 : f32 to vector<16xf32>
      %add3A_749 = arith.addf %mul3A_747, %add3A_748 : vector<16xf32>
      tpu.vector_store_idx %arg17[%add3A_735], %add3A_749 masked %eq3A_729 : memref<16xf32, #tpu.memory_space<vmem>>[vector<16xi32>], vector<16xf32>, vector<16xi1>
      %scan3A_750 = arith.constant 0 : i32
      scf.yield %scan3A_750 : i32
    }
    %scan3A_40 = arith.constant 16 : i32
    "tpu.region"() ({
      %run_scoped3A = tpu.sem_alloc : memref<!tpu.dma_semaphore, #tpu.memory_space<semaphore_mem>>
      %dma_start3A = tpu.memref_slice %arg6[%mul3A_2] : memref<512xf32, #tpu.memory_space<hbm>> -> memref<16xf32, #tpu.memory_space<hbm>>
      %dma_start3A_41 = tpu.memref_slice %arg6[%mul3A_2] : memref<512xf32, #tpu.memory_space<hbm>> -> memref<16xf32, #tpu.memory_space<hbm>>
      tpu.enqueue_dma source(%arg16 : memref<16xf32, #tpu.memory_space<vmem>>) target(%dma_start3A_41 : memref<16xf32, #tpu.memory_space<hbm>>) target_semaphore(%run_scoped3A : memref<!tpu.dma_semaphore, #tpu.memory_space<semaphore_mem>>)
      %dma_wait3A = tpu.memref_slice %arg6[%mul3A_2] : memref<512xf32, #tpu.memory_space<hbm>> -> memref<16xf32, #tpu.memory_space<hbm>>
      %dma_wait3A_42 = tpu.memref_slice %arg6[%mul3A_2] : memref<512xf32, #tpu.memory_space<hbm>> -> memref<16xf32, #tpu.memory_space<hbm>>
      tpu.wait_dma2 semaphore(%run_scoped3A : memref<!tpu.dma_semaphore, #tpu.memory_space<semaphore_mem>>) src(%arg16 : memref<16xf32, #tpu.memory_space<vmem>>) dst(%dma_wait3A_42 : memref<16xf32, #tpu.memory_space<hbm>>)
      tpu.yield
    }) : () -> ()
    "tpu.region"() ({
      %run_scoped3A = tpu.sem_alloc : memref<!tpu.dma_semaphore, #tpu.memory_space<semaphore_mem>>
      %dma_start3A = tpu.memref_slice %arg7[%mul3A_2] : memref<512xf32, #tpu.memory_space<hbm>> -> memref<16xf32, #tpu.memory_space<hbm>>
      %dma_start3A_41 = tpu.memref_slice %arg7[%mul3A_2] : memref<512xf32, #tpu.memory_space<hbm>> -> memref<16xf32, #tpu.memory_space<hbm>>
      tpu.enqueue_dma source(%arg17 : memref<16xf32, #tpu.memory_space<vmem>>) target(%dma_start3A_41 : memref<16xf32, #tpu.memory_space<hbm>>) target_semaphore(%run_scoped3A : memref<!tpu.dma_semaphore, #tpu.memory_space<semaphore_mem>>)
      %dma_wait3A = tpu.memref_slice %arg7[%mul3A_2] : memref<512xf32, #tpu.memory_space<hbm>> -> memref<16xf32, #tpu.memory_space<hbm>>
      %dma_wait3A_42 = tpu.memref_slice %arg7[%mul3A_2] : memref<512xf32, #tpu.memory_space<hbm>> -> memref<16xf32, #tpu.memory_space<hbm>>
      tpu.wait_dma2 semaphore(%run_scoped3A : memref<!tpu.dma_semaphore, #tpu.memory_space<semaphore_mem>>) src(%arg17 : memref<16xf32, #tpu.memory_space<vmem>>) dst(%dma_wait3A_42 : memref<16xf32, #tpu.memory_space<hbm>>)
      tpu.yield
    }) : () -> ()
    return
  }
}

module attributes {stable_mosaic.version = 14 : i64} {
  func.func @_finish_body(%arg0: memref<32x128xf32, #tpu.memory_space<vmem>>, %arg1: memref<32x128xf32, #tpu.memory_space<vmem>>, %arg2: memref<32x128xi32, #tpu.memory_space<vmem>>, %arg3: memref<32x128xf32, #tpu.memory_space<vmem>>, %arg4: memref<32x128xf32, #tpu.memory_space<vmem>>) attributes {dimension_semantics = [], scalar_prefetch = 0 : i64, scratch_operands = 0 : i64, tpu.core_type = #tpu.core_type<tc>} {
    %get3A = arith.constant 0 : index
    %get3A_0 = arith.constant 0 : index
    %get3A_1 = vector.load %arg0[%get3A, %get3A_0] : memref<32x128xf32, #tpu.memory_space<vmem>>, vector<32x128xf32>
    %sqrt3A = math.sqrt %get3A_1 : vector<32x128xf32>
    %get3A_2 = arith.constant 0 : index
    %get3A_3 = arith.constant 0 : index
    %get3A_4 = vector.load %arg1[%get3A_2, %get3A_3] : memref<32x128xf32, #tpu.memory_space<vmem>>, vector<32x128xf32>
    %sqrt3A_5 = math.sqrt %get3A_4 : vector<32x128xf32>
    %add3A = arith.addf %sqrt3A, %sqrt3A_5 : vector<32x128xf32>
    %mul3A = arith.constant 5.000000e-01 : f32
    %mul3A_6 = vector.broadcast %mul3A : f32 to vector<32x128xf32>
    %mul3A_7 = arith.mulf %mul3A_6, %add3A : vector<32x128xf32>
    %jit3A = arith.constant 5.000000e-01 : f32
    %jit3A_8 = arith.constant 1.000000e+01 : f32
    %max3A = vector.broadcast %jit3A : f32 to vector<32x128xf32>
    %max3A_9 = arith.maximumf %max3A, %mul3A_7 : vector<32x128xf32>
    %min3A = vector.broadcast %jit3A_8 : f32 to vector<32x128xf32>
    %min3A_10 = arith.minimumf %min3A, %max3A_9 : vector<32x128xf32>
    %get3A_11 = arith.constant 0 : index
    %get3A_12 = arith.constant 0 : index
    %get3A_13 = vector.load %arg2[%get3A_11, %get3A_12] : memref<32x128xi32, #tpu.memory_space<vmem>>, vector<32x128xi32>
    %ne3A = arith.constant 0 : i32
    %ne3A_14 = vector.broadcast %ne3A : i32 to vector<32x128xi32>
    %ne3A_15 = arith.cmpi ne, %get3A_13, %ne3A_14 : vector<32x128xi32>
    %get3A_16 = arith.constant 0 : index
    %get3A_17 = arith.constant 0 : index
    %get3A_18 = vector.load %arg3[%get3A_16, %get3A_17] : memref<32x128xf32, #tpu.memory_space<vmem>>, vector<32x128xf32>
    %select_n3A = arith.select %ne3A_15, %min3A_10, %get3A_18 : vector<32x128xi1>, vector<32x128xf32>
    %swap3A = arith.constant 0 : index
    %swap3A_19 = arith.constant 0 : index
    %swap3A_20 = vector.load %arg4[%swap3A, %swap3A_19] : memref<32x128xf32, #tpu.memory_space<vmem>>, vector<32x128xf32>
    tpu.vector_store %arg4[%swap3A, %swap3A_19], %select_n3A {strides = array<i32>} : memref<32x128xf32, #tpu.memory_space<vmem>>, vector<32x128xf32>,
    return
  }
}

module attributes {stable_mosaic.version = 14 : i64} {
  func.func @_tc_body(%arg0: i32, %arg1: memref<1x4096xf32, #tpu.memory_space<vmem>>, %arg2: memref<1x4096xf32, #tpu.memory_space<vmem>>, %arg3: memref<256x1xf32, #tpu.memory_space<vmem>>, %arg4: memref<256x1xf32, #tpu.memory_space<vmem>>, %arg5: memref<256x1xf32, #tpu.memory_space<vmem>>, %arg6: memref<256x1xf32, #tpu.memory_space<vmem>>, %arg7: memref<256x1xf32, #tpu.memory_space<vmem>>, %arg8: memref<256x1xf32, #tpu.memory_space<vmem>>) attributes {dimension_semantics = [#tpu.dimension_semantics<arbitrary>], iteration_bounds = array<i64: 14>, scalar_prefetch = 0 : i64, scratch_operands = 0 : i64, tpu.core_type = #tpu.core_type<tc>, window_params = [{pipeline_mode = #tpu.pipeline_mode<synchronous>, transform_indices = @transform_0, window_bounds = array<i64: 1, 4096>}, {pipeline_mode = #tpu.pipeline_mode<synchronous>, transform_indices = @transform_1, window_bounds = array<i64: 1, 4096>}, {transform_indices = @transform_2, window_bounds = array<i64: 256, 1>}, {transform_indices = @transform_3, window_bounds = array<i64: 256, 1>}, {transform_indices = @transform_4, window_bounds = array<i64: 256, 1>}, {transform_indices = @transform_5, window_bounds = array<i64: 256, 1>}, {transform_indices = @transform_6, window_bounds = array<i64: 256, 1>}, {transform_indices = @transform_7, window_bounds = array<i64: 256, 1>}]} {
    %get3A = arith.constant 0 : index
    %get3A_0 = arith.constant 0 : index
    %get3A_1 = vector.load %arg3[%get3A, %get3A_0] : memref<256x1xf32, #tpu.memory_space<vmem>>, vector<256x1xf32>
    %get3A_2 = arith.constant 0 : index
    %get3A_3 = arith.constant 0 : index
    %get3A_4 = vector.load %arg4[%get3A_2, %get3A_3] : memref<256x1xf32, #tpu.memory_space<vmem>>, vector<256x1xf32>
    %get3A_5 = arith.constant 0 : index
    %get3A_6 = arith.constant 0 : index
    %get3A_7 = vector.load %arg5[%get3A_5, %get3A_6] : memref<256x1xf32, #tpu.memory_space<vmem>>, vector<256x1xf32>
    %get3A_8 = arith.constant 0 : index
    %get3A_9 = arith.constant 0 : index
    %get3A_10 = vector.load %arg6[%get3A_8, %get3A_9] : memref<256x1xf32, #tpu.memory_space<vmem>>, vector<256x1xf32>
    %mul3A = arith.mulf %get3A_7, %get3A_7 : vector<256x1xf32>
    %mul3A_11 = arith.mulf %get3A_10, %get3A_10 : vector<256x1xf32>
    %add3A = arith.addf %mul3A, %mul3A_11 : vector<256x1xf32>
    %get3A_12 = arith.constant 0 : index
    %get3A_13 = arith.constant 0 : index
    %get3A_14 = vector.load %arg1[%get3A_12, %get3A_13] : memref<1x4096xf32, #tpu.memory_space<vmem>>, vector<1x4096xf32>
    %get3A_15 = arith.constant 0 : index
    %get3A_16 = arith.constant 0 : index
    %get3A_17 = vector.load %arg2[%get3A_15, %get3A_16] : memref<1x4096xf32, #tpu.memory_space<vmem>>, vector<1x4096xf32>
    %sub3A = vector.broadcast %get3A_14 : vector<1x4096xf32> to vector<256x4096xf32>
    %sub3A_18 = vector.broadcast %get3A_1 : vector<256x1xf32> to vector<256x4096xf32>
    %sub3A_19 = arith.subf %sub3A, %sub3A_18 : vector<256x4096xf32>
    %sub3A_20 = vector.broadcast %get3A_17 : vector<1x4096xf32> to vector<256x4096xf32>
    %sub3A_21 = vector.broadcast %get3A_4 : vector<256x1xf32> to vector<256x4096xf32>
    %sub3A_22 = arith.subf %sub3A_20, %sub3A_21 : vector<256x4096xf32>
    %mul3A_23 = arith.mulf %sub3A_19, %sub3A_19 : vector<256x4096xf32>
    %mul3A_24 = arith.mulf %sub3A_22, %sub3A_22 : vector<256x4096xf32>
    %add3A_25 = arith.addf %mul3A_23, %mul3A_24 : vector<256x4096xf32>
    %mul3A_26 = vector.broadcast %get3A_7 : vector<256x1xf32> to vector<256x4096xf32>
    %mul3A_27 = arith.mulf %sub3A_19, %mul3A_26 : vector<256x4096xf32>
    %mul3A_28 = vector.broadcast %get3A_10 : vector<256x1xf32> to vector<256x4096xf32>
    %mul3A_29 = arith.mulf %sub3A_22, %mul3A_28 : vector<256x4096xf32>
    %add3A_30 = arith.addf %mul3A_27, %mul3A_29 : vector<256x4096xf32>
    %gt3A = arith.constant 0.000000e+00 : f32
    %gt3A_31 = vector.broadcast %gt3A : f32 to vector<256x4096xf32>
    %gt3A_32 = arith.cmpf ogt, %add3A_30, %gt3A_31 : vector<256x4096xf32>
    %mul3A_33 = arith.mulf %add3A_30, %add3A_30 : vector<256x4096xf32>
    %mul3A_34 = arith.constant 4.000000e+00 : f32
    %mul3A_35 = vector.broadcast %mul3A_34 : f32 to vector<256x4096xf32>
    %mul3A_36 = arith.mulf %mul3A_35, %mul3A_33 : vector<256x4096xf32>
    %mul3A_37 = vector.broadcast %add3A : vector<256x1xf32> to vector<256x4096xf32>
    %mul3A_38 = arith.mulf %add3A_25, %mul3A_37 : vector<256x4096xf32>
    %gt3A_39 = arith.cmpf ogt, %mul3A_36, %mul3A_38 : vector<256x4096xf32>
    %and3A = arith.andi %gt3A_32, %gt3A_39 : vector<256x4096xi1>
    %jit3A = arith.constant 0x7F800000 : f32
    %broadcast_in_dim3A = vector.broadcast %jit3A : f32 to vector<256x4096xf32>
    %select_n3A = arith.select %and3A, %add3A_25, %broadcast_in_dim3A : vector<256x4096xi1>, vector<256x4096xf32>
    %broadcast_in_dim3A_40 = arith.constant 0xFF800000 : f32
    %broadcast_in_dim3A_41 = vector.broadcast %broadcast_in_dim3A_40 : f32 to vector<256x1xf32>
    %gt3A_42 = vector.broadcast %broadcast_in_dim3A_41 : vector<256x1xf32> to vector<256x4096xf32>
    %gt3A_43 = arith.cmpf ogt, %select_n3A, %gt3A_42 : vector<256x4096xf32>
    %jit3A_44 = arith.constant 0x7F800000 : f32
    %broadcast_in_dim3A_45 = vector.broadcast %jit3A_44 : f32 to vector<256x4096xf32>
    %select_n3A_46 = arith.select %gt3A_43, %select_n3A, %broadcast_in_dim3A_45 : vector<256x4096xi1>, vector<256x4096xf32>
    %reduce_min3A = arith.constant dense<0x7F800000> : vector<256xf32>
    %reduce_min3A_47 = vector.multi_reduction <minimumf>, %select_n3A_46, %reduce_min3A [1] : vector<256x4096xf32> to vector<256xf32>
    %broadcast_in_dim3A_48 = vector.shape_cast %reduce_min3A_47 : vector<256xf32> to vector<256x1xf32>
    %gt3A_49 = vector.broadcast %broadcast_in_dim3A_48 : vector<256x1xf32> to vector<256x4096xf32>
    %gt3A_50 = arith.cmpf ogt, %select_n3A, %gt3A_49 : vector<256x4096xf32>
    %jit3A_51 = arith.constant 0x7F800000 : f32
    %broadcast_in_dim3A_52 = vector.broadcast %jit3A_51 : f32 to vector<256x4096xf32>
    %select_n3A_53 = arith.select %gt3A_50, %select_n3A, %broadcast_in_dim3A_52 : vector<256x4096xi1>, vector<256x4096xf32>
    %reduce_min3A_54 = arith.constant dense<0x7F800000> : vector<256xf32>
    %reduce_min3A_55 = vector.multi_reduction <minimumf>, %select_n3A_53, %reduce_min3A_54 [1] : vector<256x4096xf32> to vector<256xf32>
    %broadcast_in_dim3A_56 = vector.shape_cast %reduce_min3A_55 : vector<256xf32> to vector<256x1xf32>
    %gt3A_57 = vector.broadcast %broadcast_in_dim3A_56 : vector<256x1xf32> to vector<256x4096xf32>
    %gt3A_58 = arith.cmpf ogt, %select_n3A, %gt3A_57 : vector<256x4096xf32>
    %jit3A_59 = arith.constant 0x7F800000 : f32
    %broadcast_in_dim3A_60 = vector.broadcast %jit3A_59 : f32 to vector<256x4096xf32>
    %select_n3A_61 = arith.select %gt3A_58, %select_n3A, %broadcast_in_dim3A_60 : vector<256x4096xi1>, vector<256x4096xf32>
    %reduce_min3A_62 = arith.constant dense<0x7F800000> : vector<256xf32>
    %reduce_min3A_63 = vector.multi_reduction <minimumf>, %select_n3A_61, %reduce_min3A_62 [1] : vector<256x4096xf32> to vector<256xf32>
    %broadcast_in_dim3A_64 = vector.shape_cast %reduce_min3A_63 : vector<256xf32> to vector<256x1xf32>
    %gt3A_65 = vector.broadcast %broadcast_in_dim3A_64 : vector<256x1xf32> to vector<256x4096xf32>
    %gt3A_66 = arith.cmpf ogt, %select_n3A, %gt3A_65 : vector<256x4096xf32>
    %jit3A_67 = arith.constant 0x7F800000 : f32
    %broadcast_in_dim3A_68 = vector.broadcast %jit3A_67 : f32 to vector<256x4096xf32>
    %select_n3A_69 = arith.select %gt3A_66, %select_n3A, %broadcast_in_dim3A_68 : vector<256x4096xi1>, vector<256x4096xf32>
    %reduce_min3A_70 = arith.constant dense<0x7F800000> : vector<256xf32>
    %reduce_min3A_71 = vector.multi_reduction <minimumf>, %select_n3A_69, %reduce_min3A_70 [1] : vector<256x4096xf32> to vector<256xf32>
    %broadcast_in_dim3A_72 = vector.shape_cast %reduce_min3A_71 : vector<256xf32> to vector<256x1xf32>
    %gt3A_73 = vector.broadcast %broadcast_in_dim3A_72 : vector<256x1xf32> to vector<256x4096xf32>
    %gt3A_74 = arith.cmpf ogt, %select_n3A, %gt3A_73 : vector<256x4096xf32>
    %jit3A_75 = arith.constant 0x7F800000 : f32
    %broadcast_in_dim3A_76 = vector.broadcast %jit3A_75 : f32 to vector<256x4096xf32>
    %select_n3A_77 = arith.select %gt3A_74, %select_n3A, %broadcast_in_dim3A_76 : vector<256x4096xi1>, vector<256x4096xf32>
    %reduce_min3A_78 = arith.constant dense<0x7F800000> : vector<256xf32>
    %reduce_min3A_79 = vector.multi_reduction <minimumf>, %select_n3A_77, %reduce_min3A_78 [1] : vector<256x4096xf32> to vector<256xf32>
    %broadcast_in_dim3A_80 = vector.shape_cast %reduce_min3A_79 : vector<256xf32> to vector<256x1xf32>
    %gt3A_81 = vector.broadcast %broadcast_in_dim3A_80 : vector<256x1xf32> to vector<256x4096xf32>
    %gt3A_82 = arith.cmpf ogt, %select_n3A, %gt3A_81 : vector<256x4096xf32>
    %jit3A_83 = arith.constant 0x7F800000 : f32
    %broadcast_in_dim3A_84 = vector.broadcast %jit3A_83 : f32 to vector<256x4096xf32>
    %select_n3A_85 = arith.select %gt3A_82, %select_n3A, %broadcast_in_dim3A_84 : vector<256x4096xi1>, vector<256x4096xf32>
    %reduce_min3A_86 = arith.constant dense<0x7F800000> : vector<256xf32>
    %reduce_min3A_87 = vector.multi_reduction <minimumf>, %select_n3A_85, %reduce_min3A_86 [1] : vector<256x4096xf32> to vector<256xf32>
    %broadcast_in_dim3A_88 = vector.shape_cast %reduce_min3A_87 : vector<256xf32> to vector<256x1xf32>
    %gt3A_89 = vector.broadcast %broadcast_in_dim3A_88 : vector<256x1xf32> to vector<256x4096xf32>
    %gt3A_90 = arith.cmpf ogt, %select_n3A, %gt3A_89 : vector<256x4096xf32>
    %jit3A_91 = arith.constant 0x7F800000 : f32
    %broadcast_in_dim3A_92 = vector.broadcast %jit3A_91 : f32 to vector<256x4096xf32>
    %select_n3A_93 = arith.select %gt3A_90, %select_n3A, %broadcast_in_dim3A_92 : vector<256x4096xi1>, vector<256x4096xf32>
    %reduce_min3A_94 = arith.constant dense<0x7F800000> : vector<256xf32>
    %reduce_min3A_95 = vector.multi_reduction <minimumf>, %select_n3A_93, %reduce_min3A_94 [1] : vector<256x4096xf32> to vector<256xf32>
    %broadcast_in_dim3A_96 = vector.shape_cast %reduce_min3A_95 : vector<256xf32> to vector<256x1xf32>
    %gt3A_97 = vector.broadcast %broadcast_in_dim3A_96 : vector<256x1xf32> to vector<256x4096xf32>
    %gt3A_98 = arith.cmpf ogt, %select_n3A, %gt3A_97 : vector<256x4096xf32>
    %jit3A_99 = arith.constant 0x7F800000 : f32
    %broadcast_in_dim3A_100 = vector.broadcast %jit3A_99 : f32 to vector<256x4096xf32>
    %select_n3A_101 = arith.select %gt3A_98, %select_n3A, %broadcast_in_dim3A_100 : vector<256x4096xi1>, vector<256x4096xf32>
    %reduce_min3A_102 = arith.constant dense<0x7F800000> : vector<256xf32>
    %reduce_min3A_103 = vector.multi_reduction <minimumf>, %select_n3A_101, %reduce_min3A_102 [1] : vector<256x4096xf32> to vector<256xf32>
    %broadcast_in_dim3A_104 = vector.shape_cast %reduce_min3A_103 : vector<256xf32> to vector<256x1xf32>
    %gt3A_105 = vector.broadcast %broadcast_in_dim3A_104 : vector<256x1xf32> to vector<256x4096xf32>
    %gt3A_106 = arith.cmpf ogt, %select_n3A, %gt3A_105 : vector<256x4096xf32>
    %jit3A_107 = arith.constant 0x7F800000 : f32
    %broadcast_in_dim3A_108 = vector.broadcast %jit3A_107 : f32 to vector<256x4096xf32>
    %select_n3A_109 = arith.select %gt3A_106, %select_n3A, %broadcast_in_dim3A_108 : vector<256x4096xi1>, vector<256x4096xf32>
    %reduce_min3A_110 = arith.constant dense<0x7F800000> : vector<256xf32>
    %reduce_min3A_111 = vector.multi_reduction <minimumf>, %select_n3A_109, %reduce_min3A_110 [1] : vector<256x4096xf32> to vector<256xf32>
    %broadcast_in_dim3A_112 = vector.shape_cast %reduce_min3A_111 : vector<256xf32> to vector<256x1xf32>
    %gt3A_113 = vector.broadcast %broadcast_in_dim3A_112 : vector<256x1xf32> to vector<256x4096xf32>
    %gt3A_114 = arith.cmpf ogt, %select_n3A, %gt3A_113 : vector<256x4096xf32>
    %jit3A_115 = arith.constant 0x7F800000 : f32
    %broadcast_in_dim3A_116 = vector.broadcast %jit3A_115 : f32 to vector<256x4096xf32>
    %select_n3A_117 = arith.select %gt3A_114, %select_n3A, %broadcast_in_dim3A_116 : vector<256x4096xi1>, vector<256x4096xf32>
    %reduce_min3A_118 = arith.constant dense<0x7F800000> : vector<256xf32>
    %reduce_min3A_119 = vector.multi_reduction <minimumf>, %select_n3A_117, %reduce_min3A_118 [1] : vector<256x4096xf32> to vector<256xf32>
    %broadcast_in_dim3A_120 = vector.shape_cast %reduce_min3A_119 : vector<256xf32> to vector<256x1xf32>
    %gt3A_121 = vector.broadcast %broadcast_in_dim3A_120 : vector<256x1xf32> to vector<256x4096xf32>
    %gt3A_122 = arith.cmpf ogt, %select_n3A, %gt3A_121 : vector<256x4096xf32>
    %jit3A_123 = arith.constant 0x7F800000 : f32
    %broadcast_in_dim3A_124 = vector.broadcast %jit3A_123 : f32 to vector<256x4096xf32>
    %select_n3A_125 = arith.select %gt3A_122, %select_n3A, %broadcast_in_dim3A_124 : vector<256x4096xi1>, vector<256x4096xf32>
    %reduce_min3A_126 = arith.constant dense<0x7F800000> : vector<256xf32>
    %reduce_min3A_127 = vector.multi_reduction <minimumf>, %select_n3A_125, %reduce_min3A_126 [1] : vector<256x4096xf32> to vector<256xf32>
    %broadcast_in_dim3A_128 = vector.shape_cast %reduce_min3A_127 : vector<256xf32> to vector<256x1xf32>
    %gt3A_129 = vector.broadcast %broadcast_in_dim3A_128 : vector<256x1xf32> to vector<256x4096xf32>
    %gt3A_130 = arith.cmpf ogt, %select_n3A, %gt3A_129 : vector<256x4096xf32>
    %jit3A_131 = arith.constant 0x7F800000 : f32
    %broadcast_in_dim3A_132 = vector.broadcast %jit3A_131 : f32 to vector<256x4096xf32>
    %select_n3A_133 = arith.select %gt3A_130, %select_n3A, %broadcast_in_dim3A_132 : vector<256x4096xi1>, vector<256x4096xf32>
    %reduce_min3A_134 = arith.constant dense<0x7F800000> : vector<256xf32>
    %reduce_min3A_135 = vector.multi_reduction <minimumf>, %select_n3A_133, %reduce_min3A_134 [1] : vector<256x4096xf32> to vector<256xf32>
    %broadcast_in_dim3A_136 = vector.shape_cast %reduce_min3A_135 : vector<256xf32> to vector<256x1xf32>
    %gt3A_137 = vector.broadcast %broadcast_in_dim3A_136 : vector<256x1xf32> to vector<256x4096xf32>
    %gt3A_138 = arith.cmpf ogt, %select_n3A, %gt3A_137 : vector<256x4096xf32>
    %jit3A_139 = arith.constant 0x7F800000 : f32
    %broadcast_in_dim3A_140 = vector.broadcast %jit3A_139 : f32 to vector<256x4096xf32>
    %select_n3A_141 = arith.select %gt3A_138, %select_n3A, %broadcast_in_dim3A_140 : vector<256x4096xi1>, vector<256x4096xf32>
    %reduce_min3A_142 = arith.constant dense<0x7F800000> : vector<256xf32>
    %reduce_min3A_143 = vector.multi_reduction <minimumf>, %select_n3A_141, %reduce_min3A_142 [1] : vector<256x4096xf32> to vector<256xf32>
    %broadcast_in_dim3A_144 = vector.shape_cast %reduce_min3A_143 : vector<256xf32> to vector<256x1xf32>
    %gt3A_145 = vector.broadcast %broadcast_in_dim3A_144 : vector<256x1xf32> to vector<256x4096xf32>
    %gt3A_146 = arith.cmpf ogt, %select_n3A, %gt3A_145 : vector<256x4096xf32>
    %jit3A_147 = arith.constant 0x7F800000 : f32
    %broadcast_in_dim3A_148 = vector.broadcast %jit3A_147 : f32 to vector<256x4096xf32>
    %select_n3A_149 = arith.select %gt3A_146, %select_n3A, %broadcast_in_dim3A_148 : vector<256x4096xi1>, vector<256x4096xf32>
    %reduce_min3A_150 = arith.constant dense<0x7F800000> : vector<256xf32>
    %reduce_min3A_151 = vector.multi_reduction <minimumf>, %select_n3A_149, %reduce_min3A_150 [1] : vector<256x4096xf32> to vector<256xf32>
    %broadcast_in_dim3A_152 = vector.shape_cast %reduce_min3A_151 : vector<256xf32> to vector<256x1xf32>
    %gt3A_153 = vector.broadcast %broadcast_in_dim3A_152 : vector<256x1xf32> to vector<256x4096xf32>
    %gt3A_154 = arith.cmpf ogt, %select_n3A, %gt3A_153 : vector<256x4096xf32>
    %jit3A_155 = arith.constant 0x7F800000 : f32
    %broadcast_in_dim3A_156 = vector.broadcast %jit3A_155 : f32 to vector<256x4096xf32>
    %select_n3A_157 = arith.select %gt3A_154, %select_n3A, %broadcast_in_dim3A_156 : vector<256x4096xi1>, vector<256x4096xf32>
    %reduce_min3A_158 = arith.constant dense<0x7F800000> : vector<256xf32>
    %reduce_min3A_159 = vector.multi_reduction <minimumf>, %select_n3A_157, %reduce_min3A_158 [1] : vector<256x4096xf32> to vector<256xf32>
    %broadcast_in_dim3A_160 = vector.shape_cast %reduce_min3A_159 : vector<256xf32> to vector<256x1xf32>
    %gt3A_161 = vector.broadcast %broadcast_in_dim3A_160 : vector<256x1xf32> to vector<256x4096xf32>
    %gt3A_162 = arith.cmpf ogt, %select_n3A, %gt3A_161 : vector<256x4096xf32>
    %jit3A_163 = arith.constant 0x7F800000 : f32
    %broadcast_in_dim3A_164 = vector.broadcast %jit3A_163 : f32 to vector<256x4096xf32>
    %select_n3A_165 = arith.select %gt3A_162, %select_n3A, %broadcast_in_dim3A_164 : vector<256x4096xi1>, vector<256x4096xf32>
    %reduce_min3A_166 = arith.constant dense<0x7F800000> : vector<256xf32>
    %reduce_min3A_167 = vector.multi_reduction <minimumf>, %select_n3A_165, %reduce_min3A_166 [1] : vector<256x4096xf32> to vector<256xf32>
    %broadcast_in_dim3A_168 = vector.shape_cast %reduce_min3A_167 : vector<256xf32> to vector<256x1xf32>
    %gt3A_169 = vector.broadcast %broadcast_in_dim3A_168 : vector<256x1xf32> to vector<256x4096xf32>
    %gt3A_170 = arith.cmpf ogt, %select_n3A, %gt3A_169 : vector<256x4096xf32>
    %jit3A_171 = arith.constant 0x7F800000 : f32
    %broadcast_in_dim3A_172 = vector.broadcast %jit3A_171 : f32 to vector<256x4096xf32>
    %select_n3A_173 = arith.select %gt3A_170, %select_n3A, %broadcast_in_dim3A_172 : vector<256x4096xi1>, vector<256x4096xf32>
    %reduce_min3A_174 = arith.constant dense<0x7F800000> : vector<256xf32>
    %reduce_min3A_175 = vector.multi_reduction <minimumf>, %select_n3A_173, %reduce_min3A_174 [1] : vector<256x4096xf32> to vector<256xf32>
    %broadcast_in_dim3A_176 = vector.shape_cast %reduce_min3A_175 : vector<256xf32> to vector<256x1xf32>
    %le3A = vector.broadcast %broadcast_in_dim3A_176 : vector<256x1xf32> to vector<256x4096xf32>
    %le3A_177 = arith.cmpf ole, %select_n3A, %le3A : vector<256x4096xf32>
    %convert_element_type3A = arith.extui %le3A_177 : vector<256x4096xi1> to vector<256x4096xi32>
    %reduce_sum3A = arith.constant dense<0> : vector<256xi32>
    %reduce_sum3A_178 = vector.multi_reduction <add>, %convert_element_type3A, %reduce_sum3A [1] : vector<256x4096xi32> to vector<256xi32>
    %broadcast_in_dim3A_179 = vector.shape_cast %reduce_sum3A_178 : vector<256xi32> to vector<256x1xi32>
    %lt3A = arith.constant 0x7F800000 : f32
    %lt3A_180 = vector.broadcast %lt3A : f32 to vector<256x1xf32>
    %lt3A_181 = arith.cmpf olt, %broadcast_in_dim3A_176, %lt3A_180 : vector<256x1xf32>
    %gt3A_182 = arith.constant 17 : i32
    %gt3A_183 = vector.broadcast %gt3A_182 : i32 to vector<256x1xi32>
    %gt3A_184 = arith.cmpi sgt, %broadcast_in_dim3A_179, %gt3A_183 : vector<256x1xi32>
    %and3A_185 = arith.andi %lt3A_181, %gt3A_184 : vector<256x1xi1>
    %reduce_or3A = arith.constant 1.000000e+00 : f32
    %reduce_or3A_186 = arith.constant 0.000000e+00 : f32
    %reduce_or3A_187 = vector.broadcast %reduce_or3A : f32 to vector<256x1xf32>
    %reduce_or3A_188 = vector.broadcast %reduce_or3A_186 : f32 to vector<256x1xf32>
    %reduce_or3A_189 = arith.select %and3A_185, %reduce_or3A_187, %reduce_or3A_188 : vector<256x1xi1>, vector<256x1xf32>
    %reduce_or3A_190 = vector.shape_cast %reduce_or3A_189 : vector<256x1xf32> to vector<1x256x1xf32>
    %reduce_or3A_191 = arith.constant dense<0xFF800000> : vector<1xf32>
    %reduce_or3A_192 = vector.multi_reduction <maximumf>, %reduce_or3A_190, %reduce_or3A_191 [1, 2] : vector<1x256x1xf32> to vector<1xf32>
    %reduce_or3A_193 = vector.shape_cast %reduce_or3A_192 : vector<1xf32> to vector<1x1x1xf32>
    %reduce_or3A_194 = vector.extract %reduce_or3A_193[0, 0, 0] : f32 from vector<1x1x1xf32>
    %reduce_or3A_195 = arith.constant 0.000000e+00 : f32
    %reduce_or3A_196 = arith.cmpf ogt, %reduce_or3A_194, %reduce_or3A_195 : f32
    %convert_element_type3A_197 = arith.extui %reduce_or3A_196 : i1 to i32
    %cond3A = arith.constant 0x7F800000 : f32
    %cond3A_198 = arith.constant 0 : i32
    %cond3A_199 = arith.cmpi ne, %convert_element_type3A_197, %cond3A_198 : i32
    %cond3A_200:2 = scf.if %cond3A_199 -> (vector<256x1xf32>, vector<256x1xf32>) {
      %broadcast_in_dim3A_206 = vector.broadcast %cond3A : f32 to vector<256x1xf32>
      %broadcast_in_dim3A_207 = vector.broadcast %cond3A : f32 to vector<256x1xf32>
      %broadcast_in_dim3A_208 = arith.constant 0 : i32
      %broadcast_in_dim3A_209 = vector.broadcast %broadcast_in_dim3A_208 : i32 to vector<256x1xi32>
      %eq3A = vector.broadcast %broadcast_in_dim3A_48 : vector<256x1xf32> to vector<256x4096xf32>
      %eq3A_210 = arith.cmpf oeq, %select_n3A, %eq3A : vector<256x4096xf32>
      %convert_element_type3A_211 = arith.extui %eq3A_210 : vector<256x4096xi1> to vector<256x4096xi32>
      %reduce_sum3A_212 = arith.constant dense<0> : vector<256xi32>
      %reduce_sum3A_213 = vector.multi_reduction <add>, %convert_element_type3A_211, %reduce_sum3A_212 [1] : vector<256x4096xi32> to vector<256xi32>
      %broadcast_in_dim3A_214 = vector.shape_cast %reduce_sum3A_213 : vector<256xi32> to vector<256x1xi32>
      %add3A_215 = arith.addi %broadcast_in_dim3A_209, %broadcast_in_dim3A_214 : vector<256x1xi32>
      %le3A_216 = arith.constant 15 : i32
      %le3A_217 = vector.broadcast %le3A_216 : i32 to vector<256x1xi32>
      %le3A_218 = arith.cmpi sle, %broadcast_in_dim3A_209, %le3A_217 : vector<256x1xi32>
      %gt3A_219 = arith.constant 15 : i32
      %gt3A_220 = vector.broadcast %gt3A_219 : i32 to vector<256x1xi32>
      %gt3A_221 = arith.cmpi sgt, %add3A_215, %gt3A_220 : vector<256x1xi32>
      %and3A_222 = arith.andi %le3A_218, %gt3A_221 : vector<256x1xi1>
      %select_n3A_223 = arith.select %and3A_222, %broadcast_in_dim3A_48, %broadcast_in_dim3A_206 : vector<256x1xi1>, vector<256x1xf32>
      %le3A_224 = arith.constant 16 : i32
      %le3A_225 = vector.broadcast %le3A_224 : i32 to vector<256x1xi32>
      %le3A_226 = arith.cmpi sle, %broadcast_in_dim3A_209, %le3A_225 : vector<256x1xi32>
      %gt3A_227 = arith.constant 16 : i32
      %gt3A_228 = vector.broadcast %gt3A_227 : i32 to vector<256x1xi32>
      %gt3A_229 = arith.cmpi sgt, %add3A_215, %gt3A_228 : vector<256x1xi32>
      %and3A_230 = arith.andi %le3A_226, %gt3A_229 : vector<256x1xi1>
      %select_n3A_231 = arith.select %and3A_230, %broadcast_in_dim3A_48, %broadcast_in_dim3A_207 : vector<256x1xi1>, vector<256x1xf32>
      %eq3A_232 = vector.broadcast %broadcast_in_dim3A_56 : vector<256x1xf32> to vector<256x4096xf32>
      %eq3A_233 = arith.cmpf oeq, %select_n3A, %eq3A_232 : vector<256x4096xf32>
      %convert_element_type3A_234 = arith.extui %eq3A_233 : vector<256x4096xi1> to vector<256x4096xi32>
      %reduce_sum3A_235 = arith.constant dense<0> : vector<256xi32>
      %reduce_sum3A_236 = vector.multi_reduction <add>, %convert_element_type3A_234, %reduce_sum3A_235 [1] : vector<256x4096xi32> to vector<256xi32>
      %broadcast_in_dim3A_237 = vector.shape_cast %reduce_sum3A_236 : vector<256xi32> to vector<256x1xi32>
      %add3A_238 = arith.addi %add3A_215, %broadcast_in_dim3A_237 : vector<256x1xi32>
      %le3A_239 = arith.constant 15 : i32
      %le3A_240 = vector.broadcast %le3A_239 : i32 to vector<256x1xi32>
      %le3A_241 = arith.cmpi sle, %add3A_215, %le3A_240 : vector<256x1xi32>
      %gt3A_242 = arith.constant 15 : i32
      %gt3A_243 = vector.broadcast %gt3A_242 : i32 to vector<256x1xi32>
      %gt3A_244 = arith.cmpi sgt, %add3A_238, %gt3A_243 : vector<256x1xi32>
      %and3A_245 = arith.andi %le3A_241, %gt3A_244 : vector<256x1xi1>
      %select_n3A_246 = arith.select %and3A_245, %broadcast_in_dim3A_56, %select_n3A_223 : vector<256x1xi1>, vector<256x1xf32>
      %le3A_247 = arith.constant 16 : i32
      %le3A_248 = vector.broadcast %le3A_247 : i32 to vector<256x1xi32>
      %le3A_249 = arith.cmpi sle, %add3A_215, %le3A_248 : vector<256x1xi32>
      %gt3A_250 = arith.constant 16 : i32
      %gt3A_251 = vector.broadcast %gt3A_250 : i32 to vector<256x1xi32>
      %gt3A_252 = arith.cmpi sgt, %add3A_238, %gt3A_251 : vector<256x1xi32>
      %and3A_253 = arith.andi %le3A_249, %gt3A_252 : vector<256x1xi1>
      %select_n3A_254 = arith.select %and3A_253, %broadcast_in_dim3A_56, %select_n3A_231 : vector<256x1xi1>, vector<256x1xf32>
      %eq3A_255 = vector.broadcast %broadcast_in_dim3A_64 : vector<256x1xf32> to vector<256x4096xf32>
      %eq3A_256 = arith.cmpf oeq, %select_n3A, %eq3A_255 : vector<256x4096xf32>
      %convert_element_type3A_257 = arith.extui %eq3A_256 : vector<256x4096xi1> to vector<256x4096xi32>
      %reduce_sum3A_258 = arith.constant dense<0> : vector<256xi32>
      %reduce_sum3A_259 = vector.multi_reduction <add>, %convert_element_type3A_257, %reduce_sum3A_258 [1] : vector<256x4096xi32> to vector<256xi32>
      %broadcast_in_dim3A_260 = vector.shape_cast %reduce_sum3A_259 : vector<256xi32> to vector<256x1xi32>
      %add3A_261 = arith.addi %add3A_238, %broadcast_in_dim3A_260 : vector<256x1xi32>
      %le3A_262 = arith.constant 15 : i32
      %le3A_263 = vector.broadcast %le3A_262 : i32 to vector<256x1xi32>
      %le3A_264 = arith.cmpi sle, %add3A_238, %le3A_263 : vector<256x1xi32>
      %gt3A_265 = arith.constant 15 : i32
      %gt3A_266 = vector.broadcast %gt3A_265 : i32 to vector<256x1xi32>
      %gt3A_267 = arith.cmpi sgt, %add3A_261, %gt3A_266 : vector<256x1xi32>
      %and3A_268 = arith.andi %le3A_264, %gt3A_267 : vector<256x1xi1>
      %select_n3A_269 = arith.select %and3A_268, %broadcast_in_dim3A_64, %select_n3A_246 : vector<256x1xi1>, vector<256x1xf32>
      %le3A_270 = arith.constant 16 : i32
      %le3A_271 = vector.broadcast %le3A_270 : i32 to vector<256x1xi32>
      %le3A_272 = arith.cmpi sle, %add3A_238, %le3A_271 : vector<256x1xi32>
      %gt3A_273 = arith.constant 16 : i32
      %gt3A_274 = vector.broadcast %gt3A_273 : i32 to vector<256x1xi32>
      %gt3A_275 = arith.cmpi sgt, %add3A_261, %gt3A_274 : vector<256x1xi32>
      %and3A_276 = arith.andi %le3A_272, %gt3A_275 : vector<256x1xi1>
      %select_n3A_277 = arith.select %and3A_276, %broadcast_in_dim3A_64, %select_n3A_254 : vector<256x1xi1>, vector<256x1xf32>
      %eq3A_278 = vector.broadcast %broadcast_in_dim3A_72 : vector<256x1xf32> to vector<256x4096xf32>
      %eq3A_279 = arith.cmpf oeq, %select_n3A, %eq3A_278 : vector<256x4096xf32>
      %convert_element_type3A_280 = arith.extui %eq3A_279 : vector<256x4096xi1> to vector<256x4096xi32>
      %reduce_sum3A_281 = arith.constant dense<0> : vector<256xi32>
      %reduce_sum3A_282 = vector.multi_reduction <add>, %convert_element_type3A_280, %reduce_sum3A_281 [1] : vector<256x4096xi32> to vector<256xi32>
      %broadcast_in_dim3A_283 = vector.shape_cast %reduce_sum3A_282 : vector<256xi32> to vector<256x1xi32>
      %add3A_284 = arith.addi %add3A_261, %broadcast_in_dim3A_283 : vector<256x1xi32>
      %le3A_285 = arith.constant 15 : i32
      %le3A_286 = vector.broadcast %le3A_285 : i32 to vector<256x1xi32>
      %le3A_287 = arith.cmpi sle, %add3A_261, %le3A_286 : vector<256x1xi32>
      %gt3A_288 = arith.constant 15 : i32
      %gt3A_289 = vector.broadcast %gt3A_288 : i32 to vector<256x1xi32>
      %gt3A_290 = arith.cmpi sgt, %add3A_284, %gt3A_289 : vector<256x1xi32>
      %and3A_291 = arith.andi %le3A_287, %gt3A_290 : vector<256x1xi1>
      %select_n3A_292 = arith.select %and3A_291, %broadcast_in_dim3A_72, %select_n3A_269 : vector<256x1xi1>, vector<256x1xf32>
      %le3A_293 = arith.constant 16 : i32
      %le3A_294 = vector.broadcast %le3A_293 : i32 to vector<256x1xi32>
      %le3A_295 = arith.cmpi sle, %add3A_261, %le3A_294 : vector<256x1xi32>
      %gt3A_296 = arith.constant 16 : i32
      %gt3A_297 = vector.broadcast %gt3A_296 : i32 to vector<256x1xi32>
      %gt3A_298 = arith.cmpi sgt, %add3A_284, %gt3A_297 : vector<256x1xi32>
      %and3A_299 = arith.andi %le3A_295, %gt3A_298 : vector<256x1xi1>
      %select_n3A_300 = arith.select %and3A_299, %broadcast_in_dim3A_72, %select_n3A_277 : vector<256x1xi1>, vector<256x1xf32>
      %eq3A_301 = vector.broadcast %broadcast_in_dim3A_80 : vector<256x1xf32> to vector<256x4096xf32>
      %eq3A_302 = arith.cmpf oeq, %select_n3A, %eq3A_301 : vector<256x4096xf32>
      %convert_element_type3A_303 = arith.extui %eq3A_302 : vector<256x4096xi1> to vector<256x4096xi32>
      %reduce_sum3A_304 = arith.constant dense<0> : vector<256xi32>
      %reduce_sum3A_305 = vector.multi_reduction <add>, %convert_element_type3A_303, %reduce_sum3A_304 [1] : vector<256x4096xi32> to vector<256xi32>
      %broadcast_in_dim3A_306 = vector.shape_cast %reduce_sum3A_305 : vector<256xi32> to vector<256x1xi32>
      %add3A_307 = arith.addi %add3A_284, %broadcast_in_dim3A_306 : vector<256x1xi32>
      %le3A_308 = arith.constant 15 : i32
      %le3A_309 = vector.broadcast %le3A_308 : i32 to vector<256x1xi32>
      %le3A_310 = arith.cmpi sle, %add3A_284, %le3A_309 : vector<256x1xi32>
      %gt3A_311 = arith.constant 15 : i32
      %gt3A_312 = vector.broadcast %gt3A_311 : i32 to vector<256x1xi32>
      %gt3A_313 = arith.cmpi sgt, %add3A_307, %gt3A_312 : vector<256x1xi32>
      %and3A_314 = arith.andi %le3A_310, %gt3A_313 : vector<256x1xi1>
      %select_n3A_315 = arith.select %and3A_314, %broadcast_in_dim3A_80, %select_n3A_292 : vector<256x1xi1>, vector<256x1xf32>
      %le3A_316 = arith.constant 16 : i32
      %le3A_317 = vector.broadcast %le3A_316 : i32 to vector<256x1xi32>
      %le3A_318 = arith.cmpi sle, %add3A_284, %le3A_317 : vector<256x1xi32>
      %gt3A_319 = arith.constant 16 : i32
      %gt3A_320 = vector.broadcast %gt3A_319 : i32 to vector<256x1xi32>
      %gt3A_321 = arith.cmpi sgt, %add3A_307, %gt3A_320 : vector<256x1xi32>
      %and3A_322 = arith.andi %le3A_318, %gt3A_321 : vector<256x1xi1>
      %select_n3A_323 = arith.select %and3A_322, %broadcast_in_dim3A_80, %select_n3A_300 : vector<256x1xi1>, vector<256x1xf32>
      %eq3A_324 = vector.broadcast %broadcast_in_dim3A_88 : vector<256x1xf32> to vector<256x4096xf32>
      %eq3A_325 = arith.cmpf oeq, %select_n3A, %eq3A_324 : vector<256x4096xf32>
      %convert_element_type3A_326 = arith.extui %eq3A_325 : vector<256x4096xi1> to vector<256x4096xi32>
      %reduce_sum3A_327 = arith.constant dense<0> : vector<256xi32>
      %reduce_sum3A_328 = vector.multi_reduction <add>, %convert_element_type3A_326, %reduce_sum3A_327 [1] : vector<256x4096xi32> to vector<256xi32>
      %broadcast_in_dim3A_329 = vector.shape_cast %reduce_sum3A_328 : vector<256xi32> to vector<256x1xi32>
      %add3A_330 = arith.addi %add3A_307, %broadcast_in_dim3A_329 : vector<256x1xi32>
      %le3A_331 = arith.constant 15 : i32
      %le3A_332 = vector.broadcast %le3A_331 : i32 to vector<256x1xi32>
      %le3A_333 = arith.cmpi sle, %add3A_307, %le3A_332 : vector<256x1xi32>
      %gt3A_334 = arith.constant 15 : i32
      %gt3A_335 = vector.broadcast %gt3A_334 : i32 to vector<256x1xi32>
      %gt3A_336 = arith.cmpi sgt, %add3A_330, %gt3A_335 : vector<256x1xi32>
      %and3A_337 = arith.andi %le3A_333, %gt3A_336 : vector<256x1xi1>
      %select_n3A_338 = arith.select %and3A_337, %broadcast_in_dim3A_88, %select_n3A_315 : vector<256x1xi1>, vector<256x1xf32>
      %le3A_339 = arith.constant 16 : i32
      %le3A_340 = vector.broadcast %le3A_339 : i32 to vector<256x1xi32>
      %le3A_341 = arith.cmpi sle, %add3A_307, %le3A_340 : vector<256x1xi32>
      %gt3A_342 = arith.constant 16 : i32
      %gt3A_343 = vector.broadcast %gt3A_342 : i32 to vector<256x1xi32>
      %gt3A_344 = arith.cmpi sgt, %add3A_330, %gt3A_343 : vector<256x1xi32>
      %and3A_345 = arith.andi %le3A_341, %gt3A_344 : vector<256x1xi1>
      %select_n3A_346 = arith.select %and3A_345, %broadcast_in_dim3A_88, %select_n3A_323 : vector<256x1xi1>, vector<256x1xf32>
      %eq3A_347 = vector.broadcast %broadcast_in_dim3A_96 : vector<256x1xf32> to vector<256x4096xf32>
      %eq3A_348 = arith.cmpf oeq, %select_n3A, %eq3A_347 : vector<256x4096xf32>
      %convert_element_type3A_349 = arith.extui %eq3A_348 : vector<256x4096xi1> to vector<256x4096xi32>
      %reduce_sum3A_350 = arith.constant dense<0> : vector<256xi32>
      %reduce_sum3A_351 = vector.multi_reduction <add>, %convert_element_type3A_349, %reduce_sum3A_350 [1] : vector<256x4096xi32> to vector<256xi32>
      %broadcast_in_dim3A_352 = vector.shape_cast %reduce_sum3A_351 : vector<256xi32> to vector<256x1xi32>
      %add3A_353 = arith.addi %add3A_330, %broadcast_in_dim3A_352 : vector<256x1xi32>
      %le3A_354 = arith.constant 15 : i32
      %le3A_355 = vector.broadcast %le3A_354 : i32 to vector<256x1xi32>
      %le3A_356 = arith.cmpi sle, %add3A_330, %le3A_355 : vector<256x1xi32>
      %gt3A_357 = arith.constant 15 : i32
      %gt3A_358 = vector.broadcast %gt3A_357 : i32 to vector<256x1xi32>
      %gt3A_359 = arith.cmpi sgt, %add3A_353, %gt3A_358 : vector<256x1xi32>
      %and3A_360 = arith.andi %le3A_356, %gt3A_359 : vector<256x1xi1>
      %select_n3A_361 = arith.select %and3A_360, %broadcast_in_dim3A_96, %select_n3A_338 : vector<256x1xi1>, vector<256x1xf32>
      %le3A_362 = arith.constant 16 : i32
      %le3A_363 = vector.broadcast %le3A_362 : i32 to vector<256x1xi32>
      %le3A_364 = arith.cmpi sle, %add3A_330, %le3A_363 : vector<256x1xi32>
      %gt3A_365 = arith.constant 16 : i32
      %gt3A_366 = vector.broadcast %gt3A_365 : i32 to vector<256x1xi32>
      %gt3A_367 = arith.cmpi sgt, %add3A_353, %gt3A_366 : vector<256x1xi32>
      %and3A_368 = arith.andi %le3A_364, %gt3A_367 : vector<256x1xi1>
      %select_n3A_369 = arith.select %and3A_368, %broadcast_in_dim3A_96, %select_n3A_346 : vector<256x1xi1>, vector<256x1xf32>
      %eq3A_370 = vector.broadcast %broadcast_in_dim3A_104 : vector<256x1xf32> to vector<256x4096xf32>
      %eq3A_371 = arith.cmpf oeq, %select_n3A, %eq3A_370 : vector<256x4096xf32>
      %convert_element_type3A_372 = arith.extui %eq3A_371 : vector<256x4096xi1> to vector<256x4096xi32>
      %reduce_sum3A_373 = arith.constant dense<0> : vector<256xi32>
      %reduce_sum3A_374 = vector.multi_reduction <add>, %convert_element_type3A_372, %reduce_sum3A_373 [1] : vector<256x4096xi32> to vector<256xi32>
      %broadcast_in_dim3A_375 = vector.shape_cast %reduce_sum3A_374 : vector<256xi32> to vector<256x1xi32>
      %add3A_376 = arith.addi %add3A_353, %broadcast_in_dim3A_375 : vector<256x1xi32>
      %le3A_377 = arith.constant 15 : i32
      %le3A_378 = vector.broadcast %le3A_377 : i32 to vector<256x1xi32>
      %le3A_379 = arith.cmpi sle, %add3A_353, %le3A_378 : vector<256x1xi32>
      %gt3A_380 = arith.constant 15 : i32
      %gt3A_381 = vector.broadcast %gt3A_380 : i32 to vector<256x1xi32>
      %gt3A_382 = arith.cmpi sgt, %add3A_376, %gt3A_381 : vector<256x1xi32>
      %and3A_383 = arith.andi %le3A_379, %gt3A_382 : vector<256x1xi1>
      %select_n3A_384 = arith.select %and3A_383, %broadcast_in_dim3A_104, %select_n3A_361 : vector<256x1xi1>, vector<256x1xf32>
      %le3A_385 = arith.constant 16 : i32
      %le3A_386 = vector.broadcast %le3A_385 : i32 to vector<256x1xi32>
      %le3A_387 = arith.cmpi sle, %add3A_353, %le3A_386 : vector<256x1xi32>
      %gt3A_388 = arith.constant 16 : i32
      %gt3A_389 = vector.broadcast %gt3A_388 : i32 to vector<256x1xi32>
      %gt3A_390 = arith.cmpi sgt, %add3A_376, %gt3A_389 : vector<256x1xi32>
      %and3A_391 = arith.andi %le3A_387, %gt3A_390 : vector<256x1xi1>
      %select_n3A_392 = arith.select %and3A_391, %broadcast_in_dim3A_104, %select_n3A_369 : vector<256x1xi1>, vector<256x1xf32>
      %eq3A_393 = vector.broadcast %broadcast_in_dim3A_112 : vector<256x1xf32> to vector<256x4096xf32>
      %eq3A_394 = arith.cmpf oeq, %select_n3A, %eq3A_393 : vector<256x4096xf32>
      %convert_element_type3A_395 = arith.extui %eq3A_394 : vector<256x4096xi1> to vector<256x4096xi32>
      %reduce_sum3A_396 = arith.constant dense<0> : vector<256xi32>
      %reduce_sum3A_397 = vector.multi_reduction <add>, %convert_element_type3A_395, %reduce_sum3A_396 [1] : vector<256x4096xi32> to vector<256xi32>
      %broadcast_in_dim3A_398 = vector.shape_cast %reduce_sum3A_397 : vector<256xi32> to vector<256x1xi32>
      %add3A_399 = arith.addi %add3A_376, %broadcast_in_dim3A_398 : vector<256x1xi32>
      %le3A_400 = arith.constant 15 : i32
      %le3A_401 = vector.broadcast %le3A_400 : i32 to vector<256x1xi32>
      %le3A_402 = arith.cmpi sle, %add3A_376, %le3A_401 : vector<256x1xi32>
      %gt3A_403 = arith.constant 15 : i32
      %gt3A_404 = vector.broadcast %gt3A_403 : i32 to vector<256x1xi32>
      %gt3A_405 = arith.cmpi sgt, %add3A_399, %gt3A_404 : vector<256x1xi32>
      %and3A_406 = arith.andi %le3A_402, %gt3A_405 : vector<256x1xi1>
      %select_n3A_407 = arith.select %and3A_406, %broadcast_in_dim3A_112, %select_n3A_384 : vector<256x1xi1>, vector<256x1xf32>
      %le3A_408 = arith.constant 16 : i32
      %le3A_409 = vector.broadcast %le3A_408 : i32 to vector<256x1xi32>
      %le3A_410 = arith.cmpi sle, %add3A_376, %le3A_409 : vector<256x1xi32>
      %gt3A_411 = arith.constant 16 : i32
      %gt3A_412 = vector.broadcast %gt3A_411 : i32 to vector<256x1xi32>
      %gt3A_413 = arith.cmpi sgt, %add3A_399, %gt3A_412 : vector<256x1xi32>
      %and3A_414 = arith.andi %le3A_410, %gt3A_413 : vector<256x1xi1>
      %select_n3A_415 = arith.select %and3A_414, %broadcast_in_dim3A_112, %select_n3A_392 : vector<256x1xi1>, vector<256x1xf32>
      %eq3A_416 = vector.broadcast %broadcast_in_dim3A_120 : vector<256x1xf32> to vector<256x4096xf32>
      %eq3A_417 = arith.cmpf oeq, %select_n3A, %eq3A_416 : vector<256x4096xf32>
      %convert_element_type3A_418 = arith.extui %eq3A_417 : vector<256x4096xi1> to vector<256x4096xi32>
      %reduce_sum3A_419 = arith.constant dense<0> : vector<256xi32>
      %reduce_sum3A_420 = vector.multi_reduction <add>, %convert_element_type3A_418, %reduce_sum3A_419 [1] : vector<256x4096xi32> to vector<256xi32>
      %broadcast_in_dim3A_421 = vector.shape_cast %reduce_sum3A_420 : vector<256xi32> to vector<256x1xi32>
      %add3A_422 = arith.addi %add3A_399, %broadcast_in_dim3A_421 : vector<256x1xi32>
      %le3A_423 = arith.constant 15 : i32
      %le3A_424 = vector.broadcast %le3A_423 : i32 to vector<256x1xi32>
      %le3A_425 = arith.cmpi sle, %add3A_399, %le3A_424 : vector<256x1xi32>
      %gt3A_426 = arith.constant 15 : i32
      %gt3A_427 = vector.broadcast %gt3A_426 : i32 to vector<256x1xi32>
      %gt3A_428 = arith.cmpi sgt, %add3A_422, %gt3A_427 : vector<256x1xi32>
      %and3A_429 = arith.andi %le3A_425, %gt3A_428 : vector<256x1xi1>
      %select_n3A_430 = arith.select %and3A_429, %broadcast_in_dim3A_120, %select_n3A_407 : vector<256x1xi1>, vector<256x1xf32>
      %le3A_431 = arith.constant 16 : i32
      %le3A_432 = vector.broadcast %le3A_431 : i32 to vector<256x1xi32>
      %le3A_433 = arith.cmpi sle, %add3A_399, %le3A_432 : vector<256x1xi32>
      %gt3A_434 = arith.constant 16 : i32
      %gt3A_435 = vector.broadcast %gt3A_434 : i32 to vector<256x1xi32>
      %gt3A_436 = arith.cmpi sgt, %add3A_422, %gt3A_435 : vector<256x1xi32>
      %and3A_437 = arith.andi %le3A_433, %gt3A_436 : vector<256x1xi1>
      %select_n3A_438 = arith.select %and3A_437, %broadcast_in_dim3A_120, %select_n3A_415 : vector<256x1xi1>, vector<256x1xf32>
      %eq3A_439 = vector.broadcast %broadcast_in_dim3A_128 : vector<256x1xf32> to vector<256x4096xf32>
      %eq3A_440 = arith.cmpf oeq, %select_n3A, %eq3A_439 : vector<256x4096xf32>
      %convert_element_type3A_441 = arith.extui %eq3A_440 : vector<256x4096xi1> to vector<256x4096xi32>
      %reduce_sum3A_442 = arith.constant dense<0> : vector<256xi32>
      %reduce_sum3A_443 = vector.multi_reduction <add>, %convert_element_type3A_441, %reduce_sum3A_442 [1] : vector<256x4096xi32> to vector<256xi32>
      %broadcast_in_dim3A_444 = vector.shape_cast %reduce_sum3A_443 : vector<256xi32> to vector<256x1xi32>
      %add3A_445 = arith.addi %add3A_422, %broadcast_in_dim3A_444 : vector<256x1xi32>
      %le3A_446 = arith.constant 15 : i32
      %le3A_447 = vector.broadcast %le3A_446 : i32 to vector<256x1xi32>
      %le3A_448 = arith.cmpi sle, %add3A_422, %le3A_447 : vector<256x1xi32>
      %gt3A_449 = arith.constant 15 : i32
      %gt3A_450 = vector.broadcast %gt3A_449 : i32 to vector<256x1xi32>
      %gt3A_451 = arith.cmpi sgt, %add3A_445, %gt3A_450 : vector<256x1xi32>
      %and3A_452 = arith.andi %le3A_448, %gt3A_451 : vector<256x1xi1>
      %select_n3A_453 = arith.select %and3A_452, %broadcast_in_dim3A_128, %select_n3A_430 : vector<256x1xi1>, vector<256x1xf32>
      %le3A_454 = arith.constant 16 : i32
      %le3A_455 = vector.broadcast %le3A_454 : i32 to vector<256x1xi32>
      %le3A_456 = arith.cmpi sle, %add3A_422, %le3A_455 : vector<256x1xi32>
      %gt3A_457 = arith.constant 16 : i32
      %gt3A_458 = vector.broadcast %gt3A_457 : i32 to vector<256x1xi32>
      %gt3A_459 = arith.cmpi sgt, %add3A_445, %gt3A_458 : vector<256x1xi32>
      %and3A_460 = arith.andi %le3A_456, %gt3A_459 : vector<256x1xi1>
      %select_n3A_461 = arith.select %and3A_460, %broadcast_in_dim3A_128, %select_n3A_438 : vector<256x1xi1>, vector<256x1xf32>
      %eq3A_462 = vector.broadcast %broadcast_in_dim3A_136 : vector<256x1xf32> to vector<256x4096xf32>
      %eq3A_463 = arith.cmpf oeq, %select_n3A, %eq3A_462 : vector<256x4096xf32>
      %convert_element_type3A_464 = arith.extui %eq3A_463 : vector<256x4096xi1> to vector<256x4096xi32>
      %reduce_sum3A_465 = arith.constant dense<0> : vector<256xi32>
      %reduce_sum3A_466 = vector.multi_reduction <add>, %convert_element_type3A_464, %reduce_sum3A_465 [1] : vector<256x4096xi32> to vector<256xi32>
      %broadcast_in_dim3A_467 = vector.shape_cast %reduce_sum3A_466 : vector<256xi32> to vector<256x1xi32>
      %add3A_468 = arith.addi %add3A_445, %broadcast_in_dim3A_467 : vector<256x1xi32>
      %le3A_469 = arith.constant 15 : i32
      %le3A_470 = vector.broadcast %le3A_469 : i32 to vector<256x1xi32>
      %le3A_471 = arith.cmpi sle, %add3A_445, %le3A_470 : vector<256x1xi32>
      %gt3A_472 = arith.constant 15 : i32
      %gt3A_473 = vector.broadcast %gt3A_472 : i32 to vector<256x1xi32>
      %gt3A_474 = arith.cmpi sgt, %add3A_468, %gt3A_473 : vector<256x1xi32>
      %and3A_475 = arith.andi %le3A_471, %gt3A_474 : vector<256x1xi1>
      %select_n3A_476 = arith.select %and3A_475, %broadcast_in_dim3A_136, %select_n3A_453 : vector<256x1xi1>, vector<256x1xf32>
      %le3A_477 = arith.constant 16 : i32
      %le3A_478 = vector.broadcast %le3A_477 : i32 to vector<256x1xi32>
      %le3A_479 = arith.cmpi sle, %add3A_445, %le3A_478 : vector<256x1xi32>
      %gt3A_480 = arith.constant 16 : i32
      %gt3A_481 = vector.broadcast %gt3A_480 : i32 to vector<256x1xi32>
      %gt3A_482 = arith.cmpi sgt, %add3A_468, %gt3A_481 : vector<256x1xi32>
      %and3A_483 = arith.andi %le3A_479, %gt3A_482 : vector<256x1xi1>
      %select_n3A_484 = arith.select %and3A_483, %broadcast_in_dim3A_136, %select_n3A_461 : vector<256x1xi1>, vector<256x1xf32>
      %eq3A_485 = vector.broadcast %broadcast_in_dim3A_144 : vector<256x1xf32> to vector<256x4096xf32>
      %eq3A_486 = arith.cmpf oeq, %select_n3A, %eq3A_485 : vector<256x4096xf32>
      %convert_element_type3A_487 = arith.extui %eq3A_486 : vector<256x4096xi1> to vector<256x4096xi32>
      %reduce_sum3A_488 = arith.constant dense<0> : vector<256xi32>
      %reduce_sum3A_489 = vector.multi_reduction <add>, %convert_element_type3A_487, %reduce_sum3A_488 [1] : vector<256x4096xi32> to vector<256xi32>
      %broadcast_in_dim3A_490 = vector.shape_cast %reduce_sum3A_489 : vector<256xi32> to vector<256x1xi32>
      %add3A_491 = arith.addi %add3A_468, %broadcast_in_dim3A_490 : vector<256x1xi32>
      %le3A_492 = arith.constant 15 : i32
      %le3A_493 = vector.broadcast %le3A_492 : i32 to vector<256x1xi32>
      %le3A_494 = arith.cmpi sle, %add3A_468, %le3A_493 : vector<256x1xi32>
      %gt3A_495 = arith.constant 15 : i32
      %gt3A_496 = vector.broadcast %gt3A_495 : i32 to vector<256x1xi32>
      %gt3A_497 = arith.cmpi sgt, %add3A_491, %gt3A_496 : vector<256x1xi32>
      %and3A_498 = arith.andi %le3A_494, %gt3A_497 : vector<256x1xi1>
      %select_n3A_499 = arith.select %and3A_498, %broadcast_in_dim3A_144, %select_n3A_476 : vector<256x1xi1>, vector<256x1xf32>
      %le3A_500 = arith.constant 16 : i32
      %le3A_501 = vector.broadcast %le3A_500 : i32 to vector<256x1xi32>
      %le3A_502 = arith.cmpi sle, %add3A_468, %le3A_501 : vector<256x1xi32>
      %gt3A_503 = arith.constant 16 : i32
      %gt3A_504 = vector.broadcast %gt3A_503 : i32 to vector<256x1xi32>
      %gt3A_505 = arith.cmpi sgt, %add3A_491, %gt3A_504 : vector<256x1xi32>
      %and3A_506 = arith.andi %le3A_502, %gt3A_505 : vector<256x1xi1>
      %select_n3A_507 = arith.select %and3A_506, %broadcast_in_dim3A_144, %select_n3A_484 : vector<256x1xi1>, vector<256x1xf32>
      %eq3A_508 = vector.broadcast %broadcast_in_dim3A_152 : vector<256x1xf32> to vector<256x4096xf32>
      %eq3A_509 = arith.cmpf oeq, %select_n3A, %eq3A_508 : vector<256x4096xf32>
      %convert_element_type3A_510 = arith.extui %eq3A_509 : vector<256x4096xi1> to vector<256x4096xi32>
      %reduce_sum3A_511 = arith.constant dense<0> : vector<256xi32>
      %reduce_sum3A_512 = vector.multi_reduction <add>, %convert_element_type3A_510, %reduce_sum3A_511 [1] : vector<256x4096xi32> to vector<256xi32>
      %broadcast_in_dim3A_513 = vector.shape_cast %reduce_sum3A_512 : vector<256xi32> to vector<256x1xi32>
      %add3A_514 = arith.addi %add3A_491, %broadcast_in_dim3A_513 : vector<256x1xi32>
      %le3A_515 = arith.constant 15 : i32
      %le3A_516 = vector.broadcast %le3A_515 : i32 to vector<256x1xi32>
      %le3A_517 = arith.cmpi sle, %add3A_491, %le3A_516 : vector<256x1xi32>
      %gt3A_518 = arith.constant 15 : i32
      %gt3A_519 = vector.broadcast %gt3A_518 : i32 to vector<256x1xi32>
      %gt3A_520 = arith.cmpi sgt, %add3A_514, %gt3A_519 : vector<256x1xi32>
      %and3A_521 = arith.andi %le3A_517, %gt3A_520 : vector<256x1xi1>
      %select_n3A_522 = arith.select %and3A_521, %broadcast_in_dim3A_152, %select_n3A_499 : vector<256x1xi1>, vector<256x1xf32>
      %le3A_523 = arith.constant 16 : i32
      %le3A_524 = vector.broadcast %le3A_523 : i32 to vector<256x1xi32>
      %le3A_525 = arith.cmpi sle, %add3A_491, %le3A_524 : vector<256x1xi32>
      %gt3A_526 = arith.constant 16 : i32
      %gt3A_527 = vector.broadcast %gt3A_526 : i32 to vector<256x1xi32>
      %gt3A_528 = arith.cmpi sgt, %add3A_514, %gt3A_527 : vector<256x1xi32>
      %and3A_529 = arith.andi %le3A_525, %gt3A_528 : vector<256x1xi1>
      %select_n3A_530 = arith.select %and3A_529, %broadcast_in_dim3A_152, %select_n3A_507 : vector<256x1xi1>, vector<256x1xf32>
      %eq3A_531 = vector.broadcast %broadcast_in_dim3A_160 : vector<256x1xf32> to vector<256x4096xf32>
      %eq3A_532 = arith.cmpf oeq, %select_n3A, %eq3A_531 : vector<256x4096xf32>
      %convert_element_type3A_533 = arith.extui %eq3A_532 : vector<256x4096xi1> to vector<256x4096xi32>
      %reduce_sum3A_534 = arith.constant dense<0> : vector<256xi32>
      %reduce_sum3A_535 = vector.multi_reduction <add>, %convert_element_type3A_533, %reduce_sum3A_534 [1] : vector<256x4096xi32> to vector<256xi32>
      %broadcast_in_dim3A_536 = vector.shape_cast %reduce_sum3A_535 : vector<256xi32> to vector<256x1xi32>
      %add3A_537 = arith.addi %add3A_514, %broadcast_in_dim3A_536 : vector<256x1xi32>
      %le3A_538 = arith.constant 15 : i32
      %le3A_539 = vector.broadcast %le3A_538 : i32 to vector<256x1xi32>
      %le3A_540 = arith.cmpi sle, %add3A_514, %le3A_539 : vector<256x1xi32>
      %gt3A_541 = arith.constant 15 : i32
      %gt3A_542 = vector.broadcast %gt3A_541 : i32 to vector<256x1xi32>
      %gt3A_543 = arith.cmpi sgt, %add3A_537, %gt3A_542 : vector<256x1xi32>
      %and3A_544 = arith.andi %le3A_540, %gt3A_543 : vector<256x1xi1>
      %select_n3A_545 = arith.select %and3A_544, %broadcast_in_dim3A_160, %select_n3A_522 : vector<256x1xi1>, vector<256x1xf32>
      %le3A_546 = arith.constant 16 : i32
      %le3A_547 = vector.broadcast %le3A_546 : i32 to vector<256x1xi32>
      %le3A_548 = arith.cmpi sle, %add3A_514, %le3A_547 : vector<256x1xi32>
      %gt3A_549 = arith.constant 16 : i32
      %gt3A_550 = vector.broadcast %gt3A_549 : i32 to vector<256x1xi32>
      %gt3A_551 = arith.cmpi sgt, %add3A_537, %gt3A_550 : vector<256x1xi32>
      %and3A_552 = arith.andi %le3A_548, %gt3A_551 : vector<256x1xi1>
      %select_n3A_553 = arith.select %and3A_552, %broadcast_in_dim3A_160, %select_n3A_530 : vector<256x1xi1>, vector<256x1xf32>
      %eq3A_554 = vector.broadcast %broadcast_in_dim3A_168 : vector<256x1xf32> to vector<256x4096xf32>
      %eq3A_555 = arith.cmpf oeq, %select_n3A, %eq3A_554 : vector<256x4096xf32>
      %convert_element_type3A_556 = arith.extui %eq3A_555 : vector<256x4096xi1> to vector<256x4096xi32>
      %reduce_sum3A_557 = arith.constant dense<0> : vector<256xi32>
      %reduce_sum3A_558 = vector.multi_reduction <add>, %convert_element_type3A_556, %reduce_sum3A_557 [1] : vector<256x4096xi32> to vector<256xi32>
      %broadcast_in_dim3A_559 = vector.shape_cast %reduce_sum3A_558 : vector<256xi32> to vector<256x1xi32>
      %add3A_560 = arith.addi %add3A_537, %broadcast_in_dim3A_559 : vector<256x1xi32>
      %le3A_561 = arith.constant 15 : i32
      %le3A_562 = vector.broadcast %le3A_561 : i32 to vector<256x1xi32>
      %le3A_563 = arith.cmpi sle, %add3A_537, %le3A_562 : vector<256x1xi32>
      %gt3A_564 = arith.constant 15 : i32
      %gt3A_565 = vector.broadcast %gt3A_564 : i32 to vector<256x1xi32>
      %gt3A_566 = arith.cmpi sgt, %add3A_560, %gt3A_565 : vector<256x1xi32>
      %and3A_567 = arith.andi %le3A_563, %gt3A_566 : vector<256x1xi1>
      %select_n3A_568 = arith.select %and3A_567, %broadcast_in_dim3A_168, %select_n3A_545 : vector<256x1xi1>, vector<256x1xf32>
      %le3A_569 = arith.constant 16 : i32
      %le3A_570 = vector.broadcast %le3A_569 : i32 to vector<256x1xi32>
      %le3A_571 = arith.cmpi sle, %add3A_537, %le3A_570 : vector<256x1xi32>
      %gt3A_572 = arith.constant 16 : i32
      %gt3A_573 = vector.broadcast %gt3A_572 : i32 to vector<256x1xi32>
      %gt3A_574 = arith.cmpi sgt, %add3A_560, %gt3A_573 : vector<256x1xi32>
      %and3A_575 = arith.andi %le3A_571, %gt3A_574 : vector<256x1xi1>
      %select_n3A_576 = arith.select %and3A_575, %broadcast_in_dim3A_168, %select_n3A_553 : vector<256x1xi1>, vector<256x1xf32>
      %eq3A_577 = vector.broadcast %broadcast_in_dim3A_176 : vector<256x1xf32> to vector<256x4096xf32>
      %eq3A_578 = arith.cmpf oeq, %select_n3A, %eq3A_577 : vector<256x4096xf32>
      %convert_element_type3A_579 = arith.extui %eq3A_578 : vector<256x4096xi1> to vector<256x4096xi32>
      %reduce_sum3A_580 = arith.constant dense<0> : vector<256xi32>
      %reduce_sum3A_581 = vector.multi_reduction <add>, %convert_element_type3A_579, %reduce_sum3A_580 [1] : vector<256x4096xi32> to vector<256xi32>
      %broadcast_in_dim3A_582 = vector.shape_cast %reduce_sum3A_581 : vector<256xi32> to vector<256x1xi32>
      %add3A_583 = arith.addi %add3A_560, %broadcast_in_dim3A_582 : vector<256x1xi32>
      %le3A_584 = arith.constant 15 : i32
      %le3A_585 = vector.broadcast %le3A_584 : i32 to vector<256x1xi32>
      %le3A_586 = arith.cmpi sle, %add3A_560, %le3A_585 : vector<256x1xi32>
      %gt3A_587 = arith.constant 15 : i32
      %gt3A_588 = vector.broadcast %gt3A_587 : i32 to vector<256x1xi32>
      %gt3A_589 = arith.cmpi sgt, %add3A_583, %gt3A_588 : vector<256x1xi32>
      %and3A_590 = arith.andi %le3A_586, %gt3A_589 : vector<256x1xi1>
      %select_n3A_591 = arith.select %and3A_590, %broadcast_in_dim3A_176, %select_n3A_568 : vector<256x1xi1>, vector<256x1xf32>
      %le3A_592 = arith.constant 16 : i32
      %le3A_593 = vector.broadcast %le3A_592 : i32 to vector<256x1xi32>
      %le3A_594 = arith.cmpi sle, %add3A_560, %le3A_593 : vector<256x1xi32>
      %gt3A_595 = arith.constant 16 : i32
      %gt3A_596 = vector.broadcast %gt3A_595 : i32 to vector<256x1xi32>
      %gt3A_597 = arith.cmpi sgt, %add3A_583, %gt3A_596 : vector<256x1xi32>
      %and3A_598 = arith.andi %le3A_594, %gt3A_597 : vector<256x1xi1>
      %select_n3A_599 = arith.select %and3A_598, %broadcast_in_dim3A_176, %select_n3A_576 : vector<256x1xi1>, vector<256x1xf32>
      scf.yield %select_n3A_591, %select_n3A_599 : vector<256x1xf32>, vector<256x1xf32>
    } else {
      scf.yield %broadcast_in_dim3A_168, %broadcast_in_dim3A_176 : vector<256x1xf32>, vector<256x1xf32>
    }
    %swap3A = arith.constant 0 : index
    %swap3A_201 = arith.constant 0 : index
    %swap3A_202 = vector.load %arg7[%swap3A, %swap3A_201] : memref<256x1xf32, #tpu.memory_space<vmem>>, vector<256x1xf32>
    tpu.vector_store %arg7[%swap3A, %swap3A_201], %cond3A_200#0 {strides = array<i32>} : memref<256x1xf32, #tpu.memory_space<vmem>>, vector<256x1xf32>,
    %swap3A_203 = arith.constant 0 : index
    %swap3A_204 = arith.constant 0 : index
    %swap3A_205 = vector.load %arg8[%swap3A_203, %swap3A_204] : memref<256x1xf32, #tpu.memory_space<vmem>>, vector<256x1xf32>
    tpu.vector_store %arg8[%swap3A_203, %swap3A_204], %cond3A_200#1 {strides = array<i32>} : memref<256x1xf32, #tpu.memory_space<vmem>>, vector<256x1xf32>,
    return
  }
  func.func @transform_0(%arg0: i32) -> (i32, i32) {
    %c0_i32 = arith.constant 0 : i32
    %c0_i32_0 = arith.constant 0 : i32
    %c0_i32_1 = arith.constant 0 : i32
    return %c0_i32, %c0_i32_0 : i32, i32
  }
  func.func @transform_1(%arg0: i32) -> (i32, i32) {
    %c0_i32 = arith.constant 0 : i32
    %c0_i32_0 = arith.constant 0 : i32
    %c0_i32_1 = arith.constant 0 : i32
    return %c0_i32, %c0_i32_0 : i32, i32
  }
  func.func @transform_2(%arg0: i32) -> (i32, i32) {
    %c0_i32 = arith.constant 0 : i32
    %c0_i32_0 = arith.constant 0 : i32
    return %arg0, %c0_i32 : i32, i32
  }
  func.func @transform_3(%arg0: i32) -> (i32, i32) {
    %c0_i32 = arith.constant 0 : i32
    %c0_i32_0 = arith.constant 0 : i32
    return %arg0, %c0_i32 : i32, i32
  }
  func.func @transform_4(%arg0: i32) -> (i32, i32) {
    %c0_i32 = arith.constant 0 : i32
    %c0_i32_0 = arith.constant 0 : i32
    return %arg0, %c0_i32 : i32, i32
  }
  func.func @transform_5(%arg0: i32) -> (i32, i32) {
    %c0_i32 = arith.constant 0 : i32
    %c0_i32_0 = arith.constant 0 : i32
    return %arg0, %c0_i32 : i32, i32
  }
  func.func @transform_6(%arg0: i32) -> (i32, i32) {
    %c0_i32 = arith.constant 0 : i32
    %c0_i32_0 = arith.constant 0 : i32
    return %arg0, %c0_i32 : i32, i32
  }
  func.func @transform_7(%arg0: i32) -> (i32, i32) {
    %c0_i32 = arith.constant 0 : i32
    %c0_i32_0 = arith.constant 0 : i32
    return %arg0, %c0_i32 : i32, i32
  }
}

</mosaic_0001>

<sc_bundles>
// kernel: kernel.5.cloned.1.call-start
scs
__scs_entry_jumppad:
0x0: {  	(pc) =	sbr.rel $0x88, $3  }
0x1: {  	(tag) =	ssettag $0x0;
	lr =	simm.s32 $0x1  }
0x2: {  	[smem:$0x3F9D] =	sst lr;
	_ =	strace $0xD0000000  }
0x3: {  	_ = 	snop  }
0x4: {  	_ = 	snop  }
0x5: {  	_ = 	snop  }
0x6: {  	_ = 	snop  }
0x7: {  	_ = 	snop  }
__scs_overlays_trampoline_lowered:
0x8: {  	[smem:$0x3FAC] =	sst s0  }
0x9: {  	[smem:$0x3FAD] =	sst s1  }
0xa: {  	[smem:$0x3FAE] =	sst s2  }
0xb: {  	[smem:$0x3FAF] =	sst s3  }
0xc: {  	[smem:$0x3FB0] =	sst s4  }
0xd: {  	[smem:$0x3FB1] =	sst s5  }
0xe: {  	[smem:$0x3FB2] =	sst s6  }
0xf: {  	[smem:$0x3FB3] =	sst s7  }
0x10: {  	[smem:$0x3FB4] =	sst s8  }
0x11: {  	[smem:$0x3FB5] =	sst s9;
	s0 =	simm.s32 @!p0 $0x0  }
0x12: {  	s1 =	sld [smem:$0x3F9B];
	s0 =	simm.s32 @p0 $0x1  }
0x13: {  	[smem:$0x3FB6] =	sst s0;
	s0 =	simm.s32 @!p1 $0x0  }
0x14: {  	s2 =	sld [smem:$0x3F9A];
	s0 =	simm.s32 @p1 $0x1  }
0x15: {  	[smem:$0x3FB7] =	sst s0;
	s0 =	simm.s32 @!p2 $0x0  }
0x16: {  	s3 =	sld [smem:$0x3FDB];
	s0 =	simm.s32 @p2 $0x1  }
0x17: {  	s4 =	simm.s32 $0x1BF5;
	[smem:$0x3FB9] =	sst s0  }
0x18: {  	s0 =	sld [smem:$0x3F9C];
	_ =	swait.ge [sflag:s4], $0x0  }
0x19: {  	s7 =	sld [smem:$0x3F9D]  }
0x1a: {  	s8 =	sadd.s32 $0xFFFFE003, lr  }
0x1b: {  	s9 =	sadd.s32 $0xFFFFFEF7, lr;
	s5 =	simm.s32 $0xFFFFFFFF;
	p2 =	slt.u32 s8, $0xFFFFF086  }
0x1c: {  	p1 =	slt.u32 s9, $0xF7A;
	s5 =	simm.s32 @!p2 $0x0  }
0x1d: {  	s5 =	simm.s32 @p1 $0x1;
	p0 =	seq.s32 s7, s2  }
0x1e: {  	s7 =	smul.u32 @!p0 $0xF7A, s2;
	p2 =	seq.s32 @!p0 s5, $0x0  }
0x1f: {  	s9 =	smul.u32 $0xF7A, s1;
	s8 =	simm.s32 @!p0 $0x1BF5;
	p2 =	por !p2, p0  }
0x20: {  	[sflag:s8] =	ssyncset.s32 @!p0 $0xFFFFF086;
	s6 =	sadd.s32 @!p0 s3, s7;
	s7 =	simm.s32 @!p0 $0x108  }
0x21: {  	s3 =	sadd.s32 s3, s9;
	s6 =	sadd.s32 @!p0 $0x88, s6;
	s7 =	simm.s32 @p2 $0x1082  }
0x22: {  	[simem:s7], [sflag:s8] =	dma.local @!p0 [hbm:s6], $0xF7A  }
0x23: {  	s9 =	sor.u32 $0xD0000000, s2;
	s6 =	simm.s32 $0x108;
	_ =	swait.ge @!p0 [sflag:s8], $0x0  }
0x24: {  	s3 =	sadd.s32 $0x88, s3;
	s6 =	simm.s32 @!p1 $0x1082;
	[sflag:s4] =	ssyncset.s32 $0xFFFFF086  }
0x25: {  	[simem:s6], [sflag:s4] =	dma.local [hbm:s3], $0xF7A  }
0x26: {  	[smem:$0x3F9D] =	sst s1;
	(tag) =	ssettag s2;
	_ =	strace s9  }
0x27: {  	s1 =	sld [smem:$0x3FAD]  }
0x28: {  	s2 =	sld [smem:$0x3FAE]  }
0x29: {  	s4 =	sld [smem:$0x3FB0]  }
0x2a: {  	p0 =	seq.s32 s5, $0x0;
	s5 =	sld [smem:$0x3FB1]  }
0x2b: {  	s6 =	sld [smem:$0x3FB2]  }
0x2c: {  	s7 =	sld [smem:$0x3FB3]  }
0x2d: {  	s3 =	simm.s32 $0x108;
	s8 =	sld [smem:$0x3FB4]  }
0x2e: {  	s3 =	simm.s32 @!p0 $0x1082;
	s9 =	sld [smem:$0x3FB5]  }
0x2f: {  	lr =	sadd.s32 s0, s3;
	s0 =	sld [smem:$0x3FAC]  }
0x30: {  	s3 =	sld [smem:$0x3FAF]  }
0x31: {  	[smem:$0x3FB8] =	sst s10  }
0x32: {  	s10 =	sld [smem:$0x3FB6];
	_ =	sdelay $0x3  }
0x33: {  	p0 =	seq.s32 s10, $0x1;
	s10 =	sld [smem:$0x3FB8];
	_ =	sdelay $0x3  }
0x34: {  	[smem:$0x3FB8] =	sst s10  }
0x35: {  	s10 =	sld [smem:$0x3FB7];
	_ =	sdelay $0x3  }
0x36: {  	p1 =	seq.s32 s10, $0x1;
	s10 =	sld [smem:$0x3FB8];
	_ =	sdelay $0x3  }
0x37: {  	[smem:$0x3FB8] =	sst s10  }
0x38: {  	s10 =	sld [smem:$0x3FB9]  }
0x39: {  	_ = 	snop;
	(pc) =	sbr.ind lr, $3  }
0x3a: {  	_ = 	snop  }
0x3b: {  	_ = 	snop  }
0x3c: {  	p2 =	seq.s32 s10, $0x1;
	s10 =	sld [smem:$0x3FB8]  }
0x3d: {  	_ =	shalt  }
0x3e: {  	_ =	shalt  }
0x3f: {  	_ =	shalt  }
0x40: {  	_ =	shalt  }
0x41: {  	_ =	shalt  }
0x42: {  	_ =	shalt  }
0x43: {  	_ =	shalt  }
0x44: {  	_ =	shalt  }
0x45: {  	_ =	shalt  }
0x46: {  	_ =	shalt  }
0x47: {  	_ =	shalt  }
0x48: {  	_ =	shalt  }
0x49: {  	_ =	shalt  }
0x4a: {  	_ =	shalt  }
0x4b: {  	_ =	shalt  }
0x4c: {  	_ =	shalt  }
0x4d: {  	_ =	shalt  }
0x4e: {  	_ =	shalt  }
0x4f: {  	_ =	shalt  }
0x50: {  	_ =	shalt  }
0x51: {  	_ =	shalt  }
0x52: {  	_ =	shalt  }
0x53: {  	_ =	shalt  }
0x54: {  	_ =	shalt  }
0x55: {  	_ =	shalt  }
0x56: {  	_ =	shalt  }
0x57: {  	_ =	shalt  }
0x58: {  	_ =	shalt  }
0x59: {  	_ =	shalt  }
0x5a: {  	_ =	shalt  }
0x5b: {  	_ =	shalt  }
0x5c: {  	_ =	shalt  }
0x5d: {  	_ =	shalt  }
0x5e: {  	_ =	shalt  }
0x5f: {  	_ =	shalt  }
0x60: {  	_ =	shalt  }
0x61: {  	_ =	shalt  }
0x62: {  	_ =	shalt  }
0x63: {  	_ =	shalt  }
0x64: {  	_ =	shalt  }
0x65: {  	_ =	shalt  }
0x66: {  	_ =	shalt  }
0x67: {  	_ =	shalt  }
0x68: {  	_ =	shalt  }
0x69: {  	_ =	shalt  }
0x6a: {  	_ =	shalt  }
0x6b: {  	_ =	shalt  }
0x6c: {  	_ =	shalt  }
0x6d: {  	_ =	shalt  }
0x6e: {  	_ =	shalt  }
0x6f: {  	_ =	shalt  }
0x70: {  	_ =	shalt  }
0x71: {  	_ =	shalt  }
0x72: {  	_ =	shalt  }
0x73: {  	_ =	shalt  }
0x74: {  	_ =	shalt  }
0x75: {  	_ =	shalt  }
0x76: {  	_ =	shalt  }
0x77: {  	_ =	shalt  }
0x78: {  	_ =	shalt  }
0x79: {  	_ =	shalt  }
0x7a: {  	_ =	shalt  }
0x7b: {  	_ =	shalt  }
0x7c: {  	_ =	shalt  }
0x7d: {  	_ =	shalt  }
0x7e: {  	_ =	shalt  }
0x7f: {  	_ =	shalt  }
0x80: {  	_ =	shalt  }
0x81: {  	_ =	shalt  }
0x82: {  	_ =	shalt  }
0x83: {  	_ =	shalt  }
0x84: {  	_ =	shalt  }
0x85: {  	_ =	shalt  }
0x86: {  	_ =	shalt  }
0x87: {  	_ =	shalt  }
.Lfunc_end0:
.L_simem_size_0:
called_computation_lowered:
.L_overlay_start_0:
0x88: {  	s2 =	sld [smem:$0x3FD9]  }
0x89: {  	s3 =	sld [smem:$0x3FFE];
	_ =	sdelay $0x1  }
0x8a: {  	s1 =	srdreg.scid  }
0x8b: {  	s0 =	sand.u32 $0x1, s1  }
0x8c: {  	s17 =	sshll.u32 s0, $0xA;
	s2 =	sadd.s32 s3, s2  }
0x8d: {  	s2 =	sadd.s32 s2, s17  }
0x8e: {  	[smem:$0x3FC4] =	sst s2  }
0x8f: {  	_ = 	snop  }
0x90: {  	s2 =	sld [smem:$0x3FD0];
	(tm) =	ssettm $0x1  }
0x91: {  	s18 =	sld [smem:$0x3FFB];
	_ =	sdelay $0x3  }
0x92: {  	_ =	strace s18  }
0x93: {  	s3 =	sld [smem:$0x3FFC];
	_ =	sdelay $0x3  }
0x94: {  	_ =	strace s3  }
0x95: {  	s3 =	sld [smem:$0x3FFD];
	_ =	sdelay $0x3  }
0x96: {  	_ =	strace s3  }
0x97: {  	_ =	strace $0x8FFFFFFF  }
0x98: {  	s19 =	sld [smem:$0x3FDB];
	_ =	sdelay $0x1  }
0x99: {  	s4 =	simm.s32 $_scs_section_size  }
0x9a: {  	s5 =	simm.s32 $_size__tile_overlayer_lowered;
	s6 =	simm.s32 $_tile_overlayer_lowered  }
0x9b: {  	s22 =	simm.s32 $0x1BFF;
	s21 =	sshll.u32 s6, $0x1;
	s3 =	sadd.s32 s4, s19  }
0x9c: {  	s7 =	simm.s32 $0x0;
	s20 =	sshll.u32 s5, $0x1;
	s5 =	sadd.s32 s21, s3  }
0x9d: {  	[timem:s7], [sflag:s22] =	dma.local [hbm:s5], s20  }
0x9e: {  	_ =	swait.ge [sflag:s22], s20  }
0x9f: {  	s4 =	ssub.s32 $0x0, s20;
	[sflag:s22] =	ssyncset.done $0x0  }
0xa0: {  	[sflag:s22] =	ssyncadd.s32 s4;
	_ =	sdelay $0x1  }
0xa1: {  	s23 =	simm.s32 $0x1B8B  }
0xa2: {  	_ =	swait.ge [sflag:s23], $0x1  }
0xa3: {  	[sflag:s23] =	ssyncset.done $0x0  }
0xa4: {  	s25 =	simm.s32 $0x1B8E;
	s24 =	sld [smem:$0x3FFE];
	[sflag:s23] =	ssyncadd.s32 $0xFFFFFFFF  }
0xa5: {  	s26 =	simm.s32 $execute0_lowered;
	[smem:$0x3FD2] =	sst s25  }
0xa6: {  	s5 =	sshll.u32 s26, $0x1;
	_ =	strace $0x80000046;
	[dreg:$0x1] =	wrdreg $0xFFFFFFFF  }
0xa7: {  	s28 =	simm.s32 $_size_execute0_lowered;
	s3 =	sadd.s32 s3, s5;
	[dreg:$0x0] =	wrdreg $0x0  }
0xa8: {  	s5 =	sshll.u32 s28, $0x1;
	[dreg:$0x2] =	wrdreg s3  }
0xa9: {  	[dreg:$0x3] =	wrdreg s5  }
0xaa: {  	[dreg:$0x4] =	wrdreg $0xC0  }
0xab: {  	_ =	task [dreg:s7], $0x5FFFF  }
0xac: {  	[dreg:$0x1] =	wrdreg $0xFFFFFFFF  }
0xad: {  	[dreg:$0x0] =	wrdreg $0x60  }
0xae: {  	[dreg:$0x2] =	wrdreg s2  }
0xaf: {  	[dreg:$0x3] =	wrdreg s24  }
0xb0: {  	[dreg:$0x4] =	wrdreg $0x9  }
0xb1: {  	_ =	task.clear_ibuf [dreg:s7], $0x5FFFF;
	_ =	strace $0x90000046  }
0xb2: {  	s29 =	simm.s32 $0x9;
	_ =	strace $0x80000048  }
0xb3: {  	_ =	swait.ge [sflag:s29], $0x1  }
0xb4: {  	[sflag:s29] =	ssyncadd.s32 $0xFFFFFFFF  }
0xb5: {  	_ =	strace $0x90000048  }
0xb6: {  	_ =	sfence  }
0xb7: {  	s30 =	sld [smem:$0x0];
	_ =	sdelay $0x2  }
0xb8: {  	s31 =	sshll.u32 s1, $0xD;
	s1 =	sshrl.u32 s1, $0x2  }
0xb9: {  	s3 =	sand.u32 $0x4000, s31;
	s1 =	sadd.s32 s1, s30  }
0xba: {  	s0 =	sor.u32 s3, s0;
	s1 =	sshll.u32 s1, $0x11  }
0xbb: {  	s0 =	sor.u32 s1, s0  }
0xbc: {  	s0 =	sadd.s32 $0x8F2B, s0  }
0xbd: {  	[sflag:s0] =	ssyncadd.remote.s32 $0x1  }
0xbe: {  	_ =	sfence.sel $0xFFFF  }
0xbf: {  	[dreg:$0x0] =	wrdreg $0xFFFFFFFF;
	(pc) =	sbr.abs _section_cstart, $3  }
0xc0: {  	[dreg:$0x1] =	wrdreg $0xFFFFFFFF  }
0xc1: {  	_ =	task.clear_ibuf [dreg:s7], $0x2FFFF;
	_ =	strace $0x9FFFFFFF  }
0xc2: {  	(tm) =	ssettm $0x7FFFFFFF  }
0xc3: {  	_ =	shalt  }
tec
execute0_lowered:
.L_overlay_start_1:
0x0: {  	(tag) =	ssettag $0x1  }
0x1: {  	s1 =	rddreg [dreg:$0x0]  }
0x2: {  	s8 =	rddreg [dreg:$0x1]  }
0x3: {  	s0 =	rddreg [dreg:$0x2];
	s3 =	simm.s32 $0x0;
	s4 =	srdreg.scid  }
0x4: {  	s2 =	stileid.u32;
	s12 =	simm.s32 $0x1000;
	s13 =	simm.s32 $0x2000  }
0x5: {  	s14 =	simm.s32 $0x3000;
	s15 =	simm.s32 $0x5200;
	s16 =	simm.s32 $0x4000  }
0x6: {  	v0 =	vimm.f32 $4.000000000e+02;
	s17 =	simm.s32 $0x5480;
	s18 =	simm.s32 $0x5500;
	s6 =	sand.u32 $0x1, s4  }
0x7: {  	v1 =	vimm.s32 $0x100;
	v2 =	vlaneseq.u32;
	v3 =	vimm.s32 $0x0;
	s19 =	simm.s32 $0x0;
	s5 =	sshll.u32 s2, $0x5;
	s7 =	sshll.u32 s6, $0x4  }
0x8: {  	[smem:$0x7FF] =	sst s3;
	s4 =	sadd.s32 $0xE00, s8;
	v4 =	vor.u32 $0x10, v2;
	v5 =	vor.u32 $0x20, v2;
	v6 =	vor.u32 $0x30, v2;
	s5 =	sor.u32 s7, s5  }
0x9: {  	v7 =	vor.u32 $0x40, v2;
	v8 =	vor.u32 $0x50, v2;
	v9 =	vor.u32 $0x60, v2;
	_ =	strace $0x80000047;
	s9 =	ssub.s32 $0x2, s6;
	s10 =	sshrl.u32 s5, $0x3  }
0xa: {  	v10 =	vor.u32 $0x70, v2;
	v11 =	vor.u32 $0x80, v2;
	v12 =	vor.u32 $0x90, v2;
	s6 =	sadd.s32 $0x1000, s8;
	s11 =	sshrl.u32 s9, $0x1;
	s10 =	sadd.s32 s10, s8  }
0xb: {  	v13 =	vor.u32 $0xA0, v2;
	v14 =	vor.u32 $0xB0, v2;
	v15 =	vor.u32 $0xC0, v2;
	s7 =	sadd.s32 $0x1200, s8;
	s11 =	ssub.s32 s9, s11;
	s8 =	sadd.s32 $0x1400, s10  }
0xc: {  	v16 =	vor.u32 $0xD0, v2;
	v17 =	vor.u32 $0xE0, v2;
	v18 =	vor.u32 $0xF0, v2;
	s9 =	sadd.s32 $0x1600, s10;
	s10 =	smax.u32 s11, $0x1;
	s11 =	simm.s32 $0x1  }
.LBB2_1:
0xd: {  	[tilespmem:s3], [sflag:$0x1] =	stream.linear.gather [hbm4b:s1+s3], $0x1000, $0x38;
	[tilespmem:$0x5580] =	vst v63  }
0xe: {  	_ =	swait.ge [sflag:s11], $0x1000  }
0xf: {  	[sflag:s11] =	ssyncset.done $0x0  }
0x10: {  	[sflag:s11] =	ssyncadd.s32 $0xFFFFF000  }
0x11: {  	[tilespmem:s12], [sflag:$0x1] =	stream.linear.gather [hbm4b:s4+s3], $0x1000, $0x38;
	[tilespmem:$0x5580] =	vst v63  }
0x12: {  	_ =	swait.ge [sflag:s11], $0x1000  }
0x13: {  	[sflag:s11] =	ssyncset.done $0x0  }
0x14: {  	[sflag:s11] =	ssyncadd.s32 $0xFFFFF000  }
0x15: {  	[tilespmem:s13], [sflag:$0x1] =	stream.linear.gather [hbm4b:s6+s3], $0x1000, $0x38;
	[tilespmem:$0x5580] =	vst v63  }
0x16: {  	_ =	swait.ge [sflag:s11], $0x1000  }
0x17: {  	[sflag:s11] =	ssyncset.done $0x0  }
0x18: {  	[sflag:s11] =	ssyncadd.s32 $0xFFFFF000  }
0x19: {  	[tilespmem:s14], [sflag:$0x1] =	stream.linear.gather [hbm4b:s7+s3], $0x1000, $0x38;
	[tilespmem:$0x5580] =	vst v63  }
0x1a: {  	_ =	swait.ge [sflag:s11], $0x1000  }
0x1b: {  	[sflag:s11] =	ssyncset.done $0x0  }
0x1c: {  	[sflag:s11] =	ssyncadd.s32 $0xFFFFF000  }
0x1d: {  	[tilespmem:$0x5000] =	vst v0  }
0x1e: {  	[tilespmem:$0x5010] =	vst v0  }
0x1f: {  	[tilespmem:$0x5020] =	vst v0  }
0x20: {  	[tilespmem:$0x5030] =	vst v0  }
0x21: {  	[tilespmem:$0x5040] =	vst v0  }
0x22: {  	[tilespmem:$0x5050] =	vst v0  }
0x23: {  	[tilespmem:$0x5060] =	vst v0  }
0x24: {  	[tilespmem:$0x5070] =	vst v0  }
0x25: {  	[tilespmem:$0x5080] =	vst v0  }
0x26: {  	[tilespmem:$0x5090] =	vst v0  }
0x27: {  	[tilespmem:$0x50A0] =	vst v0  }
0x28: {  	[tilespmem:$0x50B0] =	vst v0  }
0x29: {  	[tilespmem:$0x50C0] =	vst v0  }
0x2a: {  	[tilespmem:$0x50D0] =	vst v0  }
0x2b: {  	[tilespmem:$0x50E0] =	vst v0  }
0x2c: {  	s20 =	simm.s32 $0x0;
	[tilespmem:$0x50F0] =	vst v0  }
.LBB2_2:
0x2d: {  	s21 =	sor.u32 s5, s20  }
0x2e: {  	v22 =	vmov s21;
	_ =	sdelay $0x4  }
0x2f: {  	v19 =	vld.idx.msk [tilespmem:v22+s13+$0x0], $0xffff  }
0x30: {  	v20 =	vld.idx.msk [tilespmem:v22+s14+$0x0], $0xffff;
	_ =	sdelay $0x4  }
0x31: {  	s21 =	simm.s32 $0x0;
	v23 =	vmul.f32 v19, v19;
	v24 =	vmul.f32 v20, v20  }
0x32: {  	s22 =	simm.s32 $0x1000;
	v21 =	vld.idx.msk [tilespmem:v22+s21+$0x0], $0xffff  }
0x33: {  	s23 =	simm.s32 $0x4000;
	s24 =	simm.s32 $0x0;
	v22 =	vld.idx.msk [tilespmem:v22+s22+$0x0], $0xffff;
	v23 =	vadd.f32 v24, v23  }
.LBB2_3:
0x34: {  	v26 =	vmov s22  }
0x35: {  	v27 =	vmov s21;
	_ =	sdelay $0x2  }
0x36: {  	s25 =	simm.s32 $0x0  }
0x37: {  	v24 =	vimm.f32 $4.000000000e+02;
	v25 =	vmov s23;
	s26 =	simm.s32 $0x40;
	v28 =	vld.idx.msk [tilespmem:v26+s25+$0x0 ss:$0x1], $0xffff  }
.LBB2_4:
0x38: {  	p0 =	sne.s32 s26, $0x3C0;
	v29 =	vld.idx.msk [tilespmem:v27+s25+$0x0 ss:$0x1], $0xffff;
	_ =	sdelay $0x5  }
0x39: {  	v28 =	vsub.f32 v28, v22;
	v29 =	vsub.f32 v29, v21;
	_ =	sdelay $0x1  }
0x3a: {  	v31 =	vmul.f32 v28, v20;
	v30 =	vmul.f32 v29, v19;
	_ =	sdelay $0x1  }
0x3b: {  	v28 =	vmul.f32 v28, v28;
	v29 =	vmul.f32 v29, v29;
	v30 =	vadd.f32 v31, v30;
	_ =	sdelay $0x1  }
0x3c: {  	v28 =	vadd.f32 v28, v29;
	v29 =	vmul.f32 v30, v30;
	_ =	sdelay $0x1  }
0x3d: {  	v31 =	vmul.f32 v28, v23;
	v29 =	vmul.f32 $4.000000000e+00, v29;
	_ =	sdelay $0x1  }
0x3e: {  	vm0 =	vgt.f32 v30, $0.0e+00;
	vm1 =	vgt.f32 v29, v31  }
.Ltmp0:
0x3f: {  	vm0 =	vmand vm0, vm1;
	vm1 =	vlt.f32 v28, $4.000000000e+02;
	(pc) =	sbr.rel @p0 .LBB2_4-.Ltmp0, $4  }
0x40: {  	vm0 =	vmand vm1, vm0  }
0x41: {  	v28 =	vnsel vm0, $0x43C80000, v28  }
0x42: {  	v24 =	vmin.f32 v24, v28;
	[tilespmem:v25+s25+$0x0 ss:$0x1] =	vst.idx.msk $0xffff, v28;
	s25 =	sshra.s32 s26, $0x2  }
0x43: {  	s26 =	sadd.s32 $0x40, s26;
	v28 =	vld.idx.msk [tilespmem:v26+s25+$0x0 ss:$0x1], $0xffff  }
0x44: {  	_ =	sdelay $0x3  }
0x45: {  	v26 =	vld.idx.msk [tilespmem:v27+s25+$0x0 ss:$0x1], $0xffff;
	_ =	sdelay $0x4  }
0x46: {  	v60 =	vsub.f32 v28, v22;
	v26 =	vsub.f32 v26, v21;
	_ =	sdelay $0x1  }
0x47: {  	v29 =	vmul.f32 v60, v20;
	v61 =	vmul.f32 v26, v19;
	_ =	sdelay $0x1  }
0x48: {  	v27 =	vmul.f32 v60, v60;
	v26 =	vmul.f32 v26, v26;
	v28 =	vadd.f32 v29, v61;
	_ =	sdelay $0x1  }
0x49: {  	v26 =	vadd.f32 v27, v26;
	v62 =	vmul.f32 v28, v28;
	_ =	sdelay $0x1  }
0x4a: {  	v63 =	vmul.f32 v26, v23;
	v27 =	vmul.f32 $4.000000000e+00, v62  }
0x4b: {  	s26 =	sshll.u32 s24, $0x4;
	s24 =	sadd.s32 $0x1, s24  }
0x4c: {  	p0 =	sne.s32 s24, $0x10;
	vm0 =	vgt.f32 v28, $0.0e+00;
	vm1 =	vgt.f32 v27, v63  }
.Ltmp1:
0x4d: {  	vm15 =	vlt.f32 v26, $4.000000000e+02;
	vm0 =	vmand vm0, vm1;
	(pc) =	sbr.rel @p0 .LBB2_3-.Ltmp1, $4  }
0x4e: {  	vm0 =	vmand vm15, vm0  }
0x4f: {  	v26 =	vnsel vm0, $0x43C80000, v26  }
0x50: {  	s31 =	sand.u32 $0x3FFFFFF0, s26;
	[tilespmem:v25+s25+$0x0 ss:$0x1] =	vst.idx.msk $0xffff, v26;
	v24 =	vmin.f32 v24, v26  }
0x51: {  	s21 =	sadd.s32 $0x100, s21;
	s22 =	sadd.s32 $0x100, s22;
	s23 =	sadd.s32 $0x100, s23;
	[tilespmem:s31+$0x5100] =	vst v24  }
0x52: {  	v34 =	vld [tilespmem:$0x5100]  }
0x53: {  	v33 =	vld [tilespmem:$0x5110]  }
0x54: {  	v32 =	vld [tilespmem:$0x5120]  }
0x55: {  	v31 =	vld [tilespmem:$0x5130]  }
0x56: {  	v30 =	vld [tilespmem:$0x5140]  }
0x57: {  	v29 =	vld [tilespmem:$0x5150]  }
0x58: {  	v28 =	vld [tilespmem:$0x5160]  }
0x59: {  	v27 =	vld [tilespmem:$0x5170]  }
0x5a: {  	v26 =	vld [tilespmem:$0x5180]  }
0x5b: {  	v25 =	vld [tilespmem:$0x5190]  }
0x5c: {  	v24 =	vld [tilespmem:$0x51A0]  }
0x5d: {  	v23 =	vld [tilespmem:$0x51B0]  }
0x5e: {  	v22 =	vld [tilespmem:$0x51C0]  }
0x5f: {  	v21 =	vld [tilespmem:$0x51D0]  }
0x60: {  	v19 =	vld [tilespmem:$0x51E0];
	s21 =	simm.f32 $-1.000000000e+00  }
0x61: {  	v20 =	vld [tilespmem:$0x51F0];
	v36 =	vmov s21;
	s21 =	simm.s32 $0x10;
	v35 =	vmin.f32 v34, $1.000000000e+09  }
.LBB2_7:
0x62: {  	p0 =	sne.s32 s21, $0x1;
	v36 =	vadd.f32 $0.0e+00, v36;
	_ =	sdelay $0x1  }
0x63: {  	v36 =	vbroadcast v36, $0x0;
	_ =	sdelay $0x1  }
0x64: {  	vm0 =	vgt.f32 v34, v36;
	vm1 =	vgt.f32 v33, v36  }
0x65: {  	v37 =	vnsel vm0, $0x4E6E6B28, v35;
	v38 =	vnsel vm1, $0x4E6E6B28, v33;
	vm0 =	vgt.f32 v32, v36  }
0x66: {  	v37 =	vmin.f32 v37, v38;
	v38 =	vnsel vm0, $0x4E6E6B28, v32;
	vm0 =	vgt.f32 v31, v36  }
0x67: {  	v37 =	vmin.f32 v37, v38;
	v38 =	vnsel vm0, $0x4E6E6B28, v31;
	vm0 =	vgt.f32 v30, v36  }
0x68: {  	v37 =	vmin.f32 v37, v38;
	v38 =	vnsel vm0, $0x4E6E6B28, v30;
	vm0 =	vgt.f32 v29, v36  }
0x69: {  	v37 =	vmin.f32 v37, v38;
	v38 =	vnsel vm0, $0x4E6E6B28, v29;
	vm0 =	vgt.f32 v28, v36  }
0x6a: {  	v37 =	vmin.f32 v37, v38;
	v38 =	vnsel vm0, $0x4E6E6B28, v28;
	vm0 =	vgt.f32 v27, v36  }
0x6b: {  	v37 =	vmin.f32 v37, v38;
	v38 =	vnsel vm0, $0x4E6E6B28, v27;
	vm0 =	vgt.f32 v26, v36  }
0x6c: {  	v37 =	vmin.f32 v37, v38;
	v38 =	vnsel vm0, $0x4E6E6B28, v26;
	vm0 =	vgt.f32 v25, v36  }
0x6d: {  	v37 =	vmin.f32 v37, v38;
	v38 =	vnsel vm0, $0x4E6E6B28, v25;
	vm0 =	vgt.f32 v24, v36  }
0x6e: {  	v37 =	vmin.f32 v37, v38;
	v38 =	vnsel vm0, $0x4E6E6B28, v24;
	vm0 =	vgt.f32 v23, v36  }
0x6f: {  	v37 =	vmin.f32 v37, v38;
	v38 =	vnsel vm0, $0x4E6E6B28, v23;
	vm0 =	vgt.f32 v22, v36  }
0x70: {  	v37 =	vmin.f32 v37, v38;
	v38 =	vnsel vm0, $0x4E6E6B28, v22;
	vm0 =	vgt.f32 v21, v36  }
0x71: {  	v37 =	vmin.f32 v37, v38;
	v38 =	vnsel vm0, $0x4E6E6B28, v21;
	vm0 =	vgt.f32 v19, v36  }
0x72: {  	v37 =	vmin.f32 v37, v38;
	v38 =	vnsel vm0, $0x4E6E6B28, v19;
	vm0 =	vgt.f32 v20, v36  }
0x73: {  	v36 =	vmin.f32 v37, v38;
	v37 =	vnsel vm0, $0x4E6E6B28, v20  }
0x74: {  	v36 =	vmin.f32 v36, v37  }
0x75: {  	(xrf0) =	vmin.scan.msk.f32 $0xffff, v36;
	_ =	sdelay $0x5  }
0x76: {  	v36, _, _ =	vpop (xrf0)  }
0x77: {  	(v2sf) =	vpush v36, $0xF;
	_ =	sdelay $0xb  }
.Ltmp2:
0x78: {  	(pc) =	sbr.rel @p0 .LBB2_7-.Ltmp2, $3  }
0x79: {  	_ =	sdelay $0x1  }
0x7a: {  	s22 =	spop (v2sf)  }
0x7b: {  	s21 =	sadd.s32 $0xFFFFFFFF, s21;
	v36 =	vmov s22  }
0x7c: {  	v36 =	vadd.f32 $0.0e+00, v36;
	_ =	sdelay $0x1  }
0x7d: {  	v36 =	vbroadcast v36, $0x0;
	_ =	sdelay $0x1  }
0x7e: {  	vm0 =	vgt.f32 v34, v36;
	vm1 =	vgt.f32 v33, v36  }
0x7f: {  	vm6 =	vgt.f32 v32, v36;
	v34 =	vnsel vm0, $0x4E6E6B28, v35;
	v33 =	vnsel vm1, $0x4E6E6B28, v33  }
0x80: {  	vm7 =	vgt.f32 v31, v36;
	v32 =	vnsel vm6, $0x4E6E6B28, v32;
	v33 =	vmin.f32 v34, v33  }
0x81: {  	vm8 =	vgt.f32 v30, v36;
	v31 =	vnsel vm7, $0x4E6E6B28, v31;
	v32 =	vmin.f32 v33, v32  }
0x82: {  	vm9 =	vgt.f32 v29, v36;
	v30 =	vnsel vm8, $0x4E6E6B28, v30;
	v31 =	vmin.f32 v32, v31  }
0x83: {  	vm10 =	vgt.f32 v28, v36;
	v29 =	vnsel vm9, $0x4E6E6B28, v29;
	v30 =	vmin.f32 v31, v30  }
0x84: {  	vm11 =	vgt.f32 v27, v36;
	v28 =	vnsel vm10, $0x4E6E6B28, v28;
	v29 =	vmin.f32 v30, v29  }
0x85: {  	vm12 =	vgt.f32 v26, v36;
	v27 =	vnsel vm11, $0x4E6E6B28, v27;
	v28 =	vmin.f32 v29, v28  }
0x86: {  	vm13 =	vgt.f32 v25, v36;
	v26 =	vnsel vm12, $0x4E6E6B28, v26;
	v27 =	vmin.f32 v28, v27  }
0x87: {  	vm14 =	vgt.f32 v24, v36;
	v25 =	vnsel vm13, $0x4E6E6B28, v25;
	v26 =	vmin.f32 v27, v26  }
0x88: {  	vm15 =	vgt.f32 v23, v36;
	v24 =	vnsel vm14, $0x4E6E6B28, v24;
	v25 =	vmin.f32 v26, v25  }
0x89: {  	vm4 =	vgt.f32 v22, v36;
	v23 =	vnsel vm15, $0x4E6E6B28, v23;
	v24 =	vmin.f32 v25, v24  }
0x8a: {  	vm5 =	vgt.f32 v21, v36;
	v22 =	vnsel vm4, $0x4E6E6B28, v22;
	v23 =	vmin.f32 v24, v23  }
0x8b: {  	v21 =	vnsel vm5, $0x4E6E6B28, v21;
	vm6 =	vgt.f32 v19, v36;
	v22 =	vmin.f32 v23, v22  }
0x8c: {  	vm7 =	vgt.f32 v20, v36;
	v19 =	vnsel vm6, $0x4E6E6B28, v19;
	v21 =	vmin.f32 v22, v21  }
0x8d: {  	v20 =	vnsel vm7, $0x4E6E6B28, v20;
	v19 =	vmin.f32 v21, v19  }
0x8e: {  	v19 =	vmin.f32 v19, v20  }
0x8f: {  	(xrf0) =	vmin.scan.msk.f32 $0xffff, v19;
	_ =	sdelay $0x5  }
0x90: {  	v32 =	vld [tilespmem:$0x5100];
	v20, _, _ =	vpop (xrf0)  }
0x91: {  	v19 =	vadd.f32 $0.0e+00, v20;
	_ =	sdelay $0x1  }
0x92: {  	v19 =	vbroadcast v19, $0xF;
	_ =	sdelay $0x1  }
0x93: {  	vm9 =	vlt.f32 v32, $4.000000000e+02;
	vm8 =	vle.f32 v32, v19  }
0x94: {  	vm0 =	vmand vm8, vm9  }
0x95: {  	v33 =	vsel vm0, $0x1, v3  }
0x96: {  	(xrf0) =	vadd.scan.msk.s32 $0xffff, v33;
	_ =	sdelay $0x5  }
0x97: {  	(v2sf) =	vpush v20, $0xF;
	v20, _, _ =	vpop (xrf0)  }
0x98: {  	(v2sf) =	vpush v20, $0xF;
	_ =	sdelay $0x5  }
0x99: {  	[tilespmem:$0x5200] =	vst v1  }
0x9a: {  	[tilespmem:$0x5210] =	vst v1  }
0x9b: {  	[tilespmem:s15+$0x0] =	vst.msk vm0, v2  }
0x9c: {  	v20 =	vld [tilespmem:$0x5110];
	_ =	sdelay $0x4  }
0x9d: {  	s21 =	spop (v2sf);
	vm10 =	vle.f32 v20, v19;
	vm11 =	vlt.f32 v20, $4.000000000e+02  }
0x9e: {  	vm0 =	vmand vm10, vm11;
	s21 =	spop (v2sf)  }
0x9f: {  	v20 =	vsel vm0, $0x1, v3;
	[tilespmem:s21+$0x5200] =	vst.msk vm0, v4  }
0xa0: {  	(xrf0) =	vadd.scan.msk.s32 $0xffff, v20;
	v20 =	vld [tilespmem:$0x5120];
	_ =	sdelay $0x4  }
0xa1: {  	vm12 =	vle.f32 v20, v19;
	vm13 =	vlt.f32 v20, $4.000000000e+02  }
0xa2: {  	v20, _, _ =	vpop (xrf0);
	vm0 =	vmand vm12, vm13  }
0xa3: {  	(v2sf) =	vpush v20, $0xF;
	v20 =	vsel vm0, $0x1, v3  }
0xa4: {  	(xrf0) =	vadd.scan.msk.s32 $0xffff, v20;
	_ =	sdelay $0x5  }
0xa5: {  	v20, _, _ =	vpop (xrf0)  }
0xa6: {  	(v2sf) =	vpush v20, $0xF;
	_ =	sdelay $0x6  }
0xa7: {  	s21 =	sadd.s32 $0x5200, s21;
	s22 =	spop (v2sf)  }
0xa8: {  	s21 =	sadd.s32 s22, s21  }
0xa9: {  	[tilespmem:s21+$0x0] =	vst.msk vm0, v5  }
0xaa: {  	v20 =	vld [tilespmem:$0x5130];
	_ =	sdelay $0x4  }
0xab: {  	vm14 =	vle.f32 v20, v19;
	vm15 =	vlt.f32 v20, $4.000000000e+02;
	s26 =	spop (v2sf)  }
0xac: {  	vm0 =	vmand vm14, vm15;
	s21 =	sadd.s32 s26, s21  }
0xad: {  	v20 =	vsel vm0, $0x1, v3;
	[tilespmem:s21+$0x0] =	vst.msk vm0, v6  }
0xae: {  	(xrf0) =	vadd.scan.msk.s32 $0xffff, v20;
	v20 =	vld [tilespmem:$0x5140];
	_ =	sdelay $0x4  }
0xaf: {  	vm4 =	vle.f32 v20, v19;
	vm5 =	vlt.f32 v20, $4.000000000e+02  }
0xb0: {  	v20, _, _ =	vpop (xrf0);
	vm0 =	vmand vm4, vm5  }
0xb1: {  	(v2sf) =	vpush v20, $0xF;
	v20 =	vsel vm0, $0x1, v3  }
0xb2: {  	(xrf0) =	vadd.scan.msk.s32 $0xffff, v20;
	_ =	sdelay $0x5  }
0xb3: {  	v20, _, _ =	vpop (xrf0)  }
0xb4: {  	(v2sf) =	vpush v20, $0xF;
	_ =	sdelay $0x6  }
0xb5: {  	s28 =	spop (v2sf)  }
0xb6: {  	s21 =	sadd.s32 s28, s21  }
0xb7: {  	[tilespmem:s21+$0x0] =	vst.msk vm0, v7  }
0xb8: {  	v20 =	vld [tilespmem:$0x5150];
	_ =	sdelay $0x4  }
0xb9: {  	vm6 =	vle.f32 v20, v19;
	vm7 =	vlt.f32 v20, $4.000000000e+02;
	s29 =	spop (v2sf)  }
0xba: {  	vm0 =	vmand vm6, vm7;
	s21 =	sadd.s32 s29, s21  }
0xbb: {  	v20 =	vsel vm0, $0x1, v3;
	[tilespmem:s21+$0x0] =	vst.msk vm0, v8  }
0xbc: {  	(xrf0) =	vadd.scan.msk.s32 $0xffff, v20;
	v20 =	vld [tilespmem:$0x5160];
	_ =	sdelay $0x4  }
0xbd: {  	vm8 =	vle.f32 v20, v19;
	vm9 =	vlt.f32 v20, $4.000000000e+02  }
0xbe: {  	v20, _, _ =	vpop (xrf0);
	vm0 =	vmand vm8, vm9  }
0xbf: {  	(v2sf) =	vpush v20, $0xF;
	v20 =	vsel vm0, $0x1, v3  }
0xc0: {  	(xrf0) =	vadd.scan.msk.s32 $0xffff, v20;
	_ =	sdelay $0x5  }
0xc1: {  	v20, _, _ =	vpop (xrf0)  }
0xc2: {  	(v2sf) =	vpush v20, $0xF;
	_ =	sdelay $0x6  }
0xc3: {  	s30 =	spop (v2sf)  }
0xc4: {  	s21 =	sadd.s32 s30, s21  }
0xc5: {  	[tilespmem:s21+$0x0] =	vst.msk vm0, v9  }
0xc6: {  	v20 =	vld [tilespmem:$0x5170];
	_ =	sdelay $0x4  }
0xc7: {  	vm10 =	vle.f32 v20, v19;
	vm11 =	vlt.f32 v20, $4.000000000e+02;
	s31 =	spop (v2sf)  }
0xc8: {  	vm0 =	vmand vm10, vm11;
	s21 =	sadd.s32 s31, s21  }
0xc9: {  	v20 =	vsel vm0, $0x1, v3;
	[tilespmem:s21+$0x0] =	vst.msk vm0, v10  }
0xca: {  	(xrf0) =	vadd.scan.msk.s32 $0xffff, v20;
	v20 =	vld [tilespmem:$0x5180];
	_ =	sdelay $0x4  }
0xcb: {  	vm12 =	vle.f32 v20, v19;
	vm13 =	vlt.f32 v20, $4.000000000e+02  }
0xcc: {  	v20, _, _ =	vpop (xrf0);
	vm0 =	vmand vm12, vm13  }
0xcd: {  	(v2sf) =	vpush v20, $0xF;
	v20 =	vsel vm0, $0x1, v3  }
0xce: {  	(xrf0) =	vadd.scan.msk.s32 $0xffff, v20;
	_ =	sdelay $0x5  }
0xcf: {  	v20, _, _ =	vpop (xrf0)  }
0xd0: {  	(v2sf) =	vpush v20, $0xF;
	_ =	sdelay $0x6  }
0xd1: {  	s23 =	spop (v2sf)  }
0xd2: {  	s21 =	sadd.s32 s23, s21  }
0xd3: {  	[tilespmem:s21+$0x0] =	vst.msk vm0, v11  }
0xd4: {  	v20 =	vld [tilespmem:$0x5190];
	_ =	sdelay $0x4  }
0xd5: {  	vm14 =	vle.f32 v20, v19;
	vm15 =	vlt.f32 v20, $4.000000000e+02;
	s24 =	spop (v2sf)  }
0xd6: {  	vm0 =	vmand vm14, vm15;
	s21 =	sadd.s32 s24, s21  }
0xd7: {  	v20 =	vsel vm0, $0x1, v3;
	[tilespmem:s21+$0x0] =	vst.msk vm0, v12  }
0xd8: {  	(xrf0) =	vadd.scan.msk.s32 $0xffff, v20;
	v20 =	vld [tilespmem:$0x51A0];
	_ =	sdelay $0x4  }
0xd9: {  	vm4 =	vle.f32 v20, v19;
	vm5 =	vlt.f32 v20, $4.000000000e+02  }
0xda: {  	v20, _, _ =	vpop (xrf0);
	vm0 =	vmand vm4, vm5  }
0xdb: {  	(v2sf) =	vpush v20, $0xF;
	v20 =	vsel vm0, $0x1, v3  }
0xdc: {  	(xrf0) =	vadd.scan.msk.s32 $0xffff, v20;
	_ =	sdelay $0x5  }
0xdd: {  	v20, _, _ =	vpop (xrf0)  }
0xde: {  	(v2sf) =	vpush v20, $0xF;
	_ =	sdelay $0x6  }
0xdf: {  	s25 =	spop (v2sf)  }
0xe0: {  	s21 =	sadd.s32 s25, s21  }
0xe1: {  	[tilespmem:s21+$0x0] =	vst.msk vm0, v13  }
0xe2: {  	v20 =	vld [tilespmem:$0x51B0];
	_ =	sdelay $0x4  }
0xe3: {  	vm6 =	vle.f32 v20, v19;
	vm7 =	vlt.f32 v20, $4.000000000e+02;
	s26 =	spop (v2sf)  }
0xe4: {  	vm0 =	vmand vm6, vm7;
	s21 =	sadd.s32 s26, s21  }
0xe5: {  	v20 =	vsel vm0, $0x1, v3;
	[tilespmem:s21+$0x0] =	vst.msk vm0, v14  }
0xe6: {  	(xrf0) =	vadd.scan.msk.s32 $0xffff, v20;
	v20 =	vld [tilespmem:$0x51C0];
	_ =	sdelay $0x4  }
0xe7: {  	vm8 =	vle.f32 v20, v19;
	vm9 =	vlt.f32 v20, $4.000000000e+02  }
0xe8: {  	v20, _, _ =	vpop (xrf0);
	vm0 =	vmand vm8, vm9  }
0xe9: {  	(v2sf) =	vpush v20, $0xF;
	v20 =	vsel vm0, $0x1, v3  }
0xea: {  	(xrf0) =	vadd.scan.msk.s32 $0xffff, v20;
	_ =	sdelay $0x5  }
0xeb: {  	v20, _, _ =	vpop (xrf0)  }
0xec: {  	(v2sf) =	vpush v20, $0xF;
	_ =	sdelay $0x6  }
0xed: {  	s28 =	spop (v2sf)  }
0xee: {  	s21 =	sadd.s32 s28, s21  }
0xef: {  	[tilespmem:s21+$0x0] =	vst.msk vm0, v15  }
0xf0: {  	v20 =	vld [tilespmem:$0x51D0];
	_ =	sdelay $0x4  }
0xf1: {  	vm10 =	vle.f32 v20, v19;
	vm11 =	vlt.f32 v20, $4.000000000e+02;
	s29 =	spop (v2sf)  }
0xf2: {  	vm0 =	vmand vm10, vm11;
	s21 =	sadd.s32 s29, s21  }
0xf3: {  	v20 =	vsel vm0, $0x1, v3;
	[tilespmem:s21+$0x0] =	vst.msk vm0, v16  }
0xf4: {  	(xrf0) =	vadd.scan.msk.s32 $0xffff, v20;
	v20 =	vld [tilespmem:$0x51E0];
	_ =	sdelay $0x4  }
0xf5: {  	vm12 =	vle.f32 v20, v19;
	vm13 =	vlt.f32 v20, $4.000000000e+02  }
0xf6: {  	v20, _, _ =	vpop (xrf0);
	vm0 =	vmand vm12, vm13  }
0xf7: {  	(v2sf) =	vpush v20, $0xF;
	v20 =	vsel vm0, $0x1, v3  }
0xf8: {  	(xrf0) =	vadd.scan.msk.s32 $0xffff, v20;
	_ =	sdelay $0x5  }
0xf9: {  	v20, _, _ =	vpop (xrf0)  }
0xfa: {  	(v2sf) =	vpush v20, $0xF;
	_ =	sdelay $0x6  }
0xfb: {  	s30 =	spop (v2sf)  }
0xfc: {  	s21 =	sadd.s32 s30, s21  }
0xfd: {  	[tilespmem:s21+$0x0] =	vst.msk vm0, v17  }
0xfe: {  	v20 =	vld [tilespmem:$0x51F0];
	_ =	sdelay $0x4  }
0xff: {  	vm14 =	vle.f32 v20, v19;
	vm15 =	vlt.f32 v20, $4.000000000e+02;
	s31 =	spop (v2sf)  }
0x100: {  	vm0 =	vmand vm14, vm15;
	s21 =	sadd.s32 s31, s21  }
0x101: {  	[tilespmem:s21+$0x0] =	vst.msk vm0, v18  }
0x102: {  	v19 =	vld [tilespmem:$0x5200];
	_ =	sdelay $0x4  }
0x103: {  	v20 =	vshll.u32 v19, $0x4  }
0x104: {  	v19 =	vand.u32 $0xF, v19;
	v34 =	vand.u32 $0xFFFFFF00, v20  }
0x105: {  	v21 =	vor.u32 v19, v34;
	_ =	sdelay $0x4  }
0x106: {  	v35 =	vld.idx.msk [tilespmem:v21+s16+$0x0], $0xffff  }
0x107: {  	v36 =	vor.u32 $0x10, v21;
	_ =	sdelay $0x3  }
0x108: {  	[tilespmem:$0x5280] =	vst v35  }
0x109: {  	v22 =	vld.idx.msk [tilespmem:v36+s16+$0x0], $0xffff  }
0x10a: {  	v37 =	vor.u32 $0x20, v21;
	_ =	sdelay $0x3  }
0x10b: {  	[tilespmem:$0x5290] =	vst v22  }
0x10c: {  	v22 =	vld.idx.msk [tilespmem:v37+s16+$0x0], $0xffff  }
0x10d: {  	v38 =	vor.u32 $0x30, v21;
	_ =	sdelay $0x3  }
0x10e: {  	[tilespmem:$0x52A0] =	vst v22  }
0x10f: {  	v22 =	vld.idx.msk [tilespmem:v38+s16+$0x0], $0xffff  }
0x110: {  	v39 =	vor.u32 $0x40, v21;
	_ =	sdelay $0x3  }
0x111: {  	[tilespmem:$0x52B0] =	vst v22  }
0x112: {  	v22 =	vld.idx.msk [tilespmem:v39+s16+$0x0], $0xffff  }
0x113: {  	v40 =	vor.u32 $0x50, v21;
	_ =	sdelay $0x3  }
0x114: {  	[tilespmem:$0x52C0] =	vst v22  }
0x115: {  	v22 =	vld.idx.msk [tilespmem:v40+s16+$0x0], $0xffff  }
0x116: {  	v41 =	vor.u32 $0x60, v21;
	_ =	sdelay $0x3  }
0x117: {  	[tilespmem:$0x52D0] =	vst v22  }
0x118: {  	v22 =	vld.idx.msk [tilespmem:v41+s16+$0x0], $0xffff  }
0x119: {  	v42 =	vor.u32 $0x70, v21;
	_ =	sdelay $0x3  }
0x11a: {  	[tilespmem:$0x52E0] =	vst v22  }
0x11b: {  	v22 =	vld.idx.msk [tilespmem:v42+s16+$0x0], $0xffff  }
0x11c: {  	v43 =	vor.u32 $0x80, v21;
	_ =	sdelay $0x3  }
0x11d: {  	[tilespmem:$0x52F0] =	vst v22  }
0x11e: {  	v22 =	vld.idx.msk [tilespmem:v43+s16+$0x0], $0xffff  }
0x11f: {  	v44 =	vor.u32 $0x90, v21;
	_ =	sdelay $0x3  }
0x120: {  	[tilespmem:$0x5300] =	vst v22  }
0x121: {  	v22 =	vld.idx.msk [tilespmem:v44+s16+$0x0], $0xffff  }
0x122: {  	v45 =	vor.u32 $0xA0, v21;
	_ =	sdelay $0x3  }
0x123: {  	[tilespmem:$0x5310] =	vst v22  }
0x124: {  	v22 =	vld.idx.msk [tilespmem:v45+s16+$0x0], $0xffff  }
0x125: {  	v46 =	vor.u32 $0xB0, v21;
	_ =	sdelay $0x3  }
0x126: {  	[tilespmem:$0x5320] =	vst v22  }
0x127: {  	v22 =	vld.idx.msk [tilespmem:v46+s16+$0x0], $0xffff  }
0x128: {  	v47 =	vor.u32 $0xC0, v21;
	_ =	sdelay $0x3  }
0x129: {  	[tilespmem:$0x5330] =	vst v22  }
0x12a: {  	v22 =	vld.idx.msk [tilespmem:v47+s16+$0x0], $0xffff  }
0x12b: {  	v48 =	vor.u32 $0xD0, v21;
	_ =	sdelay $0x3  }
0x12c: {  	[tilespmem:$0x5340] =	vst v22  }
0x12d: {  	v22 =	vld.idx.msk [tilespmem:v48+s16+$0x0], $0xffff  }
0x12e: {  	v21 =	vor.u32 $0xE0, v21;
	_ =	sdelay $0x3  }
0x12f: {  	v19 =	vor.u32 v20, v19;
	v20 =	vld [tilespmem:$0x5210];
	[tilespmem:$0x5350] =	vst v22  }
0x130: {  	v21 =	vld.idx.msk [tilespmem:v21+s16+$0x0], $0xffff  }
0x131: {  	v19 =	vor.u32 $0xF0, v19;
	_ =	sdelay $0x3  }
0x132: {  	v49 =	vshll.u32 v20, $0x4;
	[tilespmem:$0x5360] =	vst v21  }
0x133: {  	v20 =	vand.u32 $0xF, v20;
	v50 =	vand.u32 $0xFFFFFF00, v49;
	v19 =	vld.idx.msk [tilespmem:v19+s16+$0x0], $0xffff  }
0x134: {  	v22 =	vor.u32 v20, v50;
	_ =	sdelay $0x3  }
0x135: {  	[tilespmem:$0x5370] =	vst v19  }
0x136: {  	v19 =	vld.idx.msk [tilespmem:v22+s16+$0x0], $0xffff  }
0x137: {  	v51 =	vor.u32 $0x10, v22;
	_ =	sdelay $0x3  }
0x138: {  	[tilespmem:$0x5380] =	vst v19  }
0x139: {  	v19 =	vld.idx.msk [tilespmem:v51+s16+$0x0], $0xffff  }
0x13a: {  	v52 =	vor.u32 $0x20, v22;
	_ =	sdelay $0x3  }
0x13b: {  	[tilespmem:$0x5390] =	vst v19  }
0x13c: {  	v19 =	vld.idx.msk [tilespmem:v52+s16+$0x0], $0xffff  }
0x13d: {  	v53 =	vor.u32 $0x30, v22;
	_ =	sdelay $0x3  }
0x13e: {  	[tilespmem:$0x53A0] =	vst v19  }
0x13f: {  	v19 =	vld.idx.msk [tilespmem:v53+s16+$0x0], $0xffff  }
0x140: {  	v54 =	vor.u32 $0x40, v22;
	_ =	sdelay $0x3  }
0x141: {  	[tilespmem:$0x53B0] =	vst v19  }
0x142: {  	v19 =	vld.idx.msk [tilespmem:v54+s16+$0x0], $0xffff  }
0x143: {  	v55 =	vor.u32 $0x50, v22;
	_ =	sdelay $0x3  }
0x144: {  	[tilespmem:$0x53C0] =	vst v19  }
0x145: {  	v19 =	vld.idx.msk [tilespmem:v55+s16+$0x0], $0xffff  }
0x146: {  	v56 =	vor.u32 $0x60, v22;
	_ =	sdelay $0x3  }
0x147: {  	[tilespmem:$0x53D0] =	vst v19  }
0x148: {  	v19 =	vld.idx.msk [tilespmem:v56+s16+$0x0], $0xffff  }
0x149: {  	v57 =	vor.u32 $0x70, v22;
	_ =	sdelay $0x3  }
0x14a: {  	[tilespmem:$0x53E0] =	vst v19  }
0x14b: {  	v19 =	vld.idx.msk [tilespmem:v57+s16+$0x0], $0xffff  }
0x14c: {  	v58 =	vor.u32 $0x80, v22;
	_ =	sdelay $0x3  }
0x14d: {  	[tilespmem:$0x53F0] =	vst v19  }
0x14e: {  	v19 =	vld.idx.msk [tilespmem:v58+s16+$0x0], $0xffff  }
0x14f: {  	v59 =	vor.u32 $0x90, v22;
	_ =	sdelay $0x3  }
0x150: {  	[tilespmem:$0x5400] =	vst v19  }
0x151: {  	v19 =	vld.idx.msk [tilespmem:v59+s16+$0x0], $0xffff  }
0x152: {  	v60 =	vor.u32 $0xA0, v22;
	_ =	sdelay $0x3  }
0x153: {  	[tilespmem:$0x5410] =	vst v19  }
0x154: {  	v19 =	vld.idx.msk [tilespmem:v60+s16+$0x0], $0xffff  }
0x155: {  	v61 =	vor.u32 $0xB0, v22;
	_ =	sdelay $0x3  }
0x156: {  	[tilespmem:$0x5420] =	vst v19  }
0x157: {  	v19 =	vld.idx.msk [tilespmem:v61+s16+$0x0], $0xffff  }
0x158: {  	v62 =	vor.u32 $0xC0, v22;
	_ =	sdelay $0x3  }
0x159: {  	[tilespmem:$0x5430] =	vst v19  }
0x15a: {  	v19 =	vld.idx.msk [tilespmem:v62+s16+$0x0], $0xffff  }
0x15b: {  	v63 =	vor.u32 $0xD0, v22;
	_ =	sdelay $0x3  }
0x15c: {  	[tilespmem:$0x5440] =	vst v19  }
0x15d: {  	v19 =	vld.idx.msk [tilespmem:v63+s16+$0x0], $0xffff  }
0x15e: {  	v22 =	vor.u32 $0xE0, v22;
	_ =	sdelay $0x3  }
0x15f: {  	[tilespmem:$0x5450] =	vst v19  }
0x160: {  	v20 =	vor.u32 v49, v20;
	v19 =	vld.idx.msk [tilespmem:v22+s16+$0x0], $0xffff  }
0x161: {  	v20 =	vor.u32 $0xF0, v20;
	_ =	sdelay $0x3  }
0x162: {  	[tilespmem:$0x5460] =	vst v19  }
0x163: {  	v19 =	vld.idx.msk [tilespmem:v20+s16+$0x0], $0xffff;
	_ =	sdelay $0x3  }
0x164: {  	s22 =	simm.f32 $4.000000000e+02;
	s23 =	simm.s32 $0x0  }
0x165: {  	s24 =	simm.s32 $0x0;
	s25 =	simm.f32 $-1.000000000e+00;
	s21 =	simm.f32 $4.000000000e+02;
	[tilespmem:$0x5470] =	vst v19  }
.LBB2_9:
0x166: {  	v19 =	vmov s25  }
0x167: {  	s26 =	simm.s32 $0x0;
	v19 =	vadd.f32 $0.0e+00, v19  }
0x168: {  	v21 =	vld [tilespmem:s26+$0x5280]  }
0x169: {  	s25 =	simm.s32 $0x40;
	v20 =	vbroadcast v19, $0x0;
	v19 =	vimm.f32 $1.000000000e+09  }
.LBB2_10:
0x16a: {  	p0 =	sne.s32 s25, $0x7C0  }
.Ltmp3:
0x16b: {  	_ = 	snop;
	(pc) =	sbr.rel @p0 .LBB2_10-.Ltmp3, $4  }
0x16c: {  	_ = 	snop  }
0x16d: {  	s26 =	sshra.s32 s25, $0x2;
	s25 =	sadd.s32 $0x40, s25;
	vm0 =	vgt.f32 v21, v20  }
0x16e: {  	v22 =	vnsel vm0, $0x4E6E6B28, v21;
	v21 =	vld [tilespmem:s26+$0x5280]  }
0x16f: {  	v19 =	vmin.f32 v19, v22  }
0x170: {  	_ =	sdelay $0x2  }
0x171: {  	vm0 =	vgt.f32 v21, v20  }
0x172: {  	v20 =	vnsel vm0, $0x4E6E6B28, v21  }
0x173: {  	v19 =	vmin.f32 v19, v20  }
0x174: {  	(xrf0) =	vmin.scan.msk.f32 $0xffff, v19;
	_ =	sdelay $0x5  }
0x175: {  	v19, _, _ =	vpop (xrf0)  }
0x176: {  	s26 =	simm.s32 $0x0;
	v20 =	vadd.f32 $0.0e+00, v19  }
0x177: {  	v22 =	vld [tilespmem:s26+$0x5280]  }
0x178: {  	s25 =	simm.s32 $0x40;
	v21 =	vbroadcast v20, $0xF;
	v20 =	vimm.s32 $0x0  }
.LBB2_12:
0x179: {  	p0 =	sne.s32 s25, $0x7C0  }
.Ltmp4:
0x17a: {  	_ = 	snop;
	(pc) =	sbr.rel @p0 .LBB2_12-.Ltmp4, $4  }
0x17b: {  	_ = 	snop  }
0x17c: {  	s26 =	sshra.s32 s25, $0x2;
	s25 =	sadd.s32 $0x40, s25;
	vm0 =	veq.f32 v22, v21  }
0x17d: {  	v22 =	vld [tilespmem:s26+$0x5280];
	v23 =	vsel vm0, $0x1, v3  }
0x17e: {  	v20 =	vadd.s32 v23, v20  }
0x17f: {  	_ =	sdelay $0x2  }
0x180: {  	vm0 =	veq.f32 v22, v21  }
0x181: {  	v21 =	vsel vm0, $0x1, v3  }
0x182: {  	v20 =	vadd.s32 v21, v20  }
0x183: {  	(xrf0) =	vadd.scan.msk.s32 $0xffff, v20;
	_ =	sdelay $0x5  }
0x184: {  	(v2sf) =	vpush v19, $0xF;
	v19, _, _ =	vpop (xrf0)  }
0x185: {  	(v2sf) =	vpush v19, $0xF;
	_ =	sdelay $0xd  }
0x186: {  	s25 =	spop (v2sf)  }
0x187: {  	s26 =	spop (v2sf)  }
0x188: {  	s26 =	sadd.s32 s24, s26  }
0x189: {  	s28 =	smov.u32 s22;
	s23 =	sadd.s32 $0x1, s23;
	p1 =	sgt.s32 s26, $0xF  }
0x18a: {  	s28 =	smov.u32 @p1 s25;
	p1 =	sne.s32 s23, $0x11  }
.Ltmp5:
0x18b: {  	_ = 	snop;
	(pc) =	sbr.rel @p1 .LBB2_9-.Ltmp5, $4  }
0x18c: {  	p0 =	slt.s32 s24, $0x10  }
0x18d: {  	p2 =	slt.s32 s24, $0x11;
	s24 =	smov.u32 s21;
	p3 =	sgt.s32 s26, $0x10  }
0x18e: {  	s24 =	smov.u32 @p3 s25  }
0x18f: {  	s22 =	smov.u32 @p0 s28;
	s21 =	smov.u32 @p2 s24;
	s24 =	smov.u32 s26  }
0x190: {  	v19 =	vmov s20;
	v20 =	vmov s22;
	s20 =	sadd.s32 $0x1, s20  }
0x191: {  	v21 =	vmov s21;
	v20 =	vadd.f32 $0.0e+00, v20;
	p0 =	sne.s32 s20, $0x10  }
.Ltmp6:
0x192: {  	v21 =	vadd.f32 $0.0e+00, v21;
	(pc) =	sbr.rel @p0 .LBB2_2-.Ltmp6, $4  }
0x193: {  	v20 =	vbroadcast v20, $0x0  }
0x194: {  	v21 =	vbroadcast v21, $0x0  }
0x195: {  	[tilespmem:v19+s17+$0x0] =	vst.idx.msk $0x1, v20  }
0x196: {  	[tilespmem:v19+s18+$0x0] =	vst.idx.msk $0x1, v21  }
0x197: {  	[hbm4b:s8+s3] =	stream.linear.scatter [tilespmem:s17], [sflag:$0x1], $0x10, $0x38;
	[tilespmem:$0x5580] =	vst v63  }
0x198: {  	s19 =	sadd.s32 $0x1, s19;
	_ =	swait.ge [sflag:s11], $0x10  }
0x199: {  	p0 =	sne.s32 s19, s10;
	[sflag:s11] =	ssyncset.done $0x0  }
.Ltmp7:
0x19a: {  	[sflag:s11] =	ssyncadd.s32 $0xFFFFFFF0;
	(pc) =	sbr.rel @p0 .LBB2_1-.Ltmp7, $4  }
0x19b: {  	[hbm4b:s9+s3] =	stream.linear.scatter [tilespmem:s18], [sflag:$0x1], $0x10, $0x38;
	[tilespmem:$0x5580] =	vst v63  }
0x19c: {  	_ =	swait.ge [sflag:s11], $0x10  }
0x19d: {  	[sflag:s11] =	ssyncset.done $0x0  }
0x19e: {  	[sflag:s11] =	ssyncadd.s32 $0xFFFFFFF0  }
0x19f: {  	_ =	sfence.sel $0x180000  }
0x1a0: {  	[bflag:$0x0] =	sbarrier.arrive $0xFFFF  }
0x1a1: {  	p0 =	sne.s32 s2, $0x0;
	_ =	strace $0x90000047  }
0x1a2: {  	s0 =	sadd.s32 @!p0 $0x100000, s0;
	[bflag:$0x2] =	sbarrier.arrive $0xFFFF  }
0x1a3: {  	[sflag:s0] =	ssyncadd.tile.s32 @!p0 $0x1;
	_ =	shalt  }
.Lfunc_end2:
_tile_overlayer_lowered:
.L_overlay_start_2:
0x1a4: {  	(tag) =	ssettag $0x2  }
0x1a5: {  	s0 =	rddreg [dreg:$0x0];
	s2 =	stileid.u32  }
0x1a6: {  	s1 =	rddreg [dreg:$0x1];
	p0 =	sne.s32 s2, $0x0  }
0x1a7: {  	s3 =	rddreg [dreg:$0x2];
	[bflag:$0x3] =	sbarrier.arrive $0xFFFF;
	s2 =	simm.s32 @!p0 $0x1C01  }
0x1a8: {  	[timem:s3], [sflag:s2] =	dma.local @!p0 [hbm:s0], s1  }
0x1a9: {  	s0 =	simm.s32 @!p0 $0x1  }
0x1aa: {  	_ =	swait.ge @!p0 [sflag:s0], s1  }
0x1ab: {  	s1 =	ssub.s32 @!p0 $0x0, s1;
	[sflag:s0] =	ssyncset.done @!p0 $0x0  }
0x1ac: {  	[sflag:s0] =	ssyncadd.s32 @!p0 s1  }
0x1ad: {  	[bflag:$0x3] =	sbarrier.arrive $0xFFFF  }
0x1ae: {  	_ =	shalt  }

</sc_bundles>
